<compile_context>
chip_gen: v7x
topology: tpu7x:2x2x1
jax: 0.10.2.dev20260603
libtpu: 0.0.44.dev20260713+nightly
codegen_flags: <defaults>
</compile_context>

<pallas_src>
import functools

import jax
import jax.numpy as jnp
from jax import lax
from jax.experimental import pallas as pl
from jax.experimental.pallas import tpu as pltpu
from jax.experimental.pallas import tpu_sc as plsc

N = 10000
E = 320000
D = 128
R = 20
RP = R + 1
DBITS = 14
GROW = 10000

NC = 2
NS = 16
NW = NC * NS
EW = E // NW
CH = 128
NCH = 79
EB = NCH * CH
NPAD = 10112
RS = NPAD // NS

BN = 1000
NB = N // BN


def _mm_body(x_ref, w_ref, lw_ref, src_ref, dst_ref, et_ref, y_ref, p_ref):
    @pl.when(pl.program_id(0) == 0)
    def _build_table():
        g = et_ref[...] * N + src_ref[...]
        packed = jnp.left_shift(g, DBITS) | dst_ref[...]
        p_ref[:, :EW] = packed
        p_ref[:, EW:] = jnp.full((NW, EB - EW), GROW, jnp.int32)

    for r in range(R):
        y_ref[r] = jnp.dot(x_ref[...], w_ref[r],
                           preferred_element_type=jnp.float32)
    y_ref[R] = jnp.dot(x_ref[...], lw_ref[...],
                       preferred_element_type=jnp.float32)


def _typed_matmuls(x, w_rel, loop_weight, src, dst, etypes):
    return pl.pallas_call(
        _mm_body,
        grid=(NB,),
        in_specs=[
            pl.BlockSpec((BN, D), lambda i: (i, 0)),
            pl.BlockSpec((R, D, D), lambda i: (0, 0, 0)),
            pl.BlockSpec((D, D), lambda i: (0, 0)),
            pl.BlockSpec((NW, EW), lambda i: (0, 0)),
            pl.BlockSpec((NW, EW), lambda i: (0, 0)),
            pl.BlockSpec((NW, EW), lambda i: (0, 0)),
        ],
        out_specs=[pl.BlockSpec((RP, BN, D), lambda i: (0, i, 0)),
                   pl.BlockSpec((NW, EB), lambda i: (0, 0))],
        out_shape=[jax.ShapeDtypeStruct((RP, N, D), jnp.float32),
                   jax.ShapeDtypeStruct((NW, EB), jnp.int32)],
    )(x, w_rel, loop_weight, src.reshape(NW, EW), dst.reshape(NW, EW),
      etypes.reshape(NW, EW))


def _sc_body(y_hbm, p_hbm, out_hbm,
             ptab, ib_a, db_a, ib_b, db_b, rows_a, rows_b, acc,
             sem_a, sem_b):
    cid = lax.axis_index("c")
    sid = lax.axis_index("s")
    wid = cid * NS + sid

    pltpu.sync_copy(p_hbm.at[wid], ptab)

    dmask = jnp.full((16,), (1 << DBITS) - 1, jnp.int32)
    dshift = jnp.full((16,), DBITS, jnp.int32)

    def _unpack(c, ib, db):
        for j in range(CH // 16):
            pk = ptab[c, pl.ds(j * 16, 16)]
            ib[pl.ds(j * 16, 16)] = lax.shift_right_logical(pk, dshift)
            db[pl.ds(j * 16, 16)] = pk & dmask

    def _zrow(i, c):
        for j in range(D // 16):
            rows_a[i, pl.ds(j * 16, 16)] = jnp.zeros((16,), jnp.float32)
        return c
    lax.fori_loop(0, CH, _zrow, 0)
    rbase = sid * RS
    for t in range(RS // CH):
        pltpu.sync_copy(rows_a, acc.at[pl.ds(rbase + t * CH, CH)])
    rtail = RS % CH
    if rtail:
        pltpu.sync_copy(rows_a.at[pl.ds(0, rtail)],
                        acc.at[pl.ds(rbase + (RS // CH) * CH, rtail)])
    plsc.subcore_barrier()

    _unpack(0, ib_a, db_a)
    pltpu.async_copy(y_hbm.at[ib_a], rows_a, sem_a)

    def _pair(p, carry):
        c = 2 * p
        _unpack(c + 1, ib_b, db_b)
        pltpu.async_copy(y_hbm.at[ib_b], rows_b, sem_b)
        pltpu.make_async_copy(y_hbm.at[ib_a], rows_a, sem_a).wait()
        pltpu.sync_copy(rows_a, acc.at[db_a], add=True)
        _unpack(c + 2, ib_a, db_a)
        pltpu.async_copy(y_hbm.at[ib_a], rows_a, sem_a)
        pltpu.make_async_copy(y_hbm.at[ib_b], rows_b, sem_b).wait()
        pltpu.sync_copy(rows_b, acc.at[db_b], add=True)
        return carry
    lax.fori_loop(0, (NCH - 1) // 2, _pair, 0)
    pltpu.make_async_copy(y_hbm.at[ib_a], rows_a, sem_a).wait()
    pltpu.sync_copy(rows_a, acc.at[db_a], add=True)
    plsc.subcore_barrier()

    pltpu.sync_copy(acc.at[pl.ds(rbase, RS)],
                    out_hbm.at[pl.ds(cid * NPAD + rbase, RS)])


def _sc_aggregate(yflat, ptab):
    mesh = plsc.VectorSubcoreMesh(core_axis_name="c", subcore_axis_name="s")
    fn = functools.partial(
        pl.kernel,
        mesh=mesh,
        out_type=jax.ShapeDtypeStruct((NC * NPAD, D), jnp.float32),
        scratch_types=[
            pltpu.VMEM((NCH, CH), jnp.int32),
            pltpu.VMEM((CH,), jnp.int32),
            pltpu.VMEM((CH,), jnp.int32),
            pltpu.VMEM((CH,), jnp.int32),
            pltpu.VMEM((CH,), jnp.int32),
            pltpu.VMEM((CH, D), jnp.float32),
            pltpu.VMEM((CH, D), jnp.float32),
            pltpu.VMEM_SHARED((NPAD, D), jnp.float32),
            pltpu.SemaphoreType.DMA,
            pltpu.SemaphoreType.DMA,
        ],
    )(_sc_body)
    return fn(yflat, ptab)


def _ln_body(p_ref, yl_ref, hb_ref, ls_ref, lb_ref, o_ref):
    h = p_ref[0] + p_ref[1]
    mean = jnp.mean(h, axis=-1, keepdims=True)
    cent = h - mean
    var = jnp.mean(cent * cent, axis=-1, keepdims=True)
    hn = cent * lax.rsqrt(var + 1e-5)
    o_ref[...] = (hn * ls_ref[0] + lb_ref[0] + hb_ref[0]) + yl_ref[0]


def _ln_combine(parts, yloop, h_bias, ln_scale, ln_bias):
    return pl.pallas_call(
        _ln_body,
        grid=(NB,),
        in_specs=[
            pl.BlockSpec((NC, BN, D), lambda i: (0, i, 0)),
            pl.BlockSpec((1, BN, D), lambda i: (R, i, 0)),
            pl.BlockSpec((1, D), lambda i: (0, 0)),
            pl.BlockSpec((1, D), lambda i: (0, 0)),
            pl.BlockSpec((1, D), lambda i: (0, 0)),
        ],
        out_specs=pl.BlockSpec((BN, D), lambda i: (i, 0)),
        out_shape=jax.ShapeDtypeStruct((N, D), jnp.float32),
    )(parts, yloop, h_bias, ln_scale, ln_bias)


@jax.jit
def kernel(x, edge_index, etypes, W_rel, loop_weight, h_bias, ln_scale,
           ln_bias):
    y, ptab = _typed_matmuls(x, W_rel, loop_weight, edge_index[0],
                             edge_index[1], etypes)
    yflat = y.reshape(RP * N, D)
    parts = _sc_aggregate(yflat, ptab.reshape(NW, NCH, CH))
    out = _ln_combine(parts.reshape(NC, NPAD, D), y,
                      h_bias.reshape(1, D), ln_scale.reshape(1, D),
                      ln_bias.reshape(1, D))
    return out

# --- scband reference (transcript-rebuilt; emitter-appended) ---
"""Pipeline reference for scband-rel-graph-conv-67302137528493 (READ-ONLY COPY).

The authoritative reference and input builder live on the scoring server;
editing this copy changes nothing except your own understanding.
"""

import jax, jax.numpy as jnp
import numpy as np

N = 10000
E = 320000
D_IN = 128
D_OUT = 128
R = 20


def setup_inputs(seed: int = 0) -> dict:
    key = jax.random.key(seed)
    k1, k2, k3, k4, k5 = jax.random.split(key, 5)
    x = jax.random.normal(k1, (N, D_IN), dtype=jnp.float32)
    edge_index = jax.random.randint(k2, (2, E), 0, N, dtype=jnp.int32)
    etypes = jax.random.randint(k3, (E,), 0, R, dtype=jnp.int32)
    # TypedLinear relation weights (no regularizer): one [in,out] matrix per relation
    W_rel = jax.random.normal(k4, (R, D_IN, D_OUT), dtype=jnp.float32) * (1.0 / np.sqrt(D_IN))
    # self-loop weight (xavier uniform with relu gain)
    gain = np.sqrt(2.0)
    bound = gain * np.sqrt(6.0 / (D_IN + D_OUT))
    loop_weight = jax.random.uniform(k5, (D_IN, D_OUT), dtype=jnp.float32, minval=-bound, maxval=bound)
    h_bias = jnp.zeros((D_OUT,), dtype=jnp.float32)
    ln_scale = jnp.ones((D_OUT,), dtype=jnp.float32)
    ln_bias = jnp.zeros((D_OUT,), dtype=jnp.float32)
    return {"x": x, "edge_index": edge_index, "etypes": etypes, "W_rel": W_rel,
            "loop_weight": loop_weight, "h_bias": h_bias, "ln_scale": ln_scale, "ln_bias": ln_bias}


def _typed_linear(x_e, types, W):
    # per-edge relation-typed linear: m_e = x_e @ W[types_e]
    out = jnp.zeros((x_e.shape[0], W.shape[2]), dtype=x_e.dtype)
    for r in range(W.shape[0]):
        out = out + jnp.where((types == r)[:, None], x_e @ W[r], 0.0)
    return out


def reference(x, edge_index, etypes, W_rel, loop_weight, h_bias, ln_scale, ln_bias):
    src = edge_index[0]
    dst = edge_index[1]
    # gather source node features per edge
    x_src = jnp.take(x, src, axis=0)
    # relation-typed linear message (TypedLinear, regularizer=None)
    msgs = _typed_linear(x_src, etypes, W_rel)
    # aggregate (sum) messages to destination nodes: scatter-add / segment_sum
    h = jax.ops.segment_sum(msgs, dst, num_segments=x.shape[0])
    # layer norm (elementwise_affine=True)
    mean = jnp.mean(h, axis=-1, keepdims=True)
    var = jnp.var(h, axis=-1, keepdims=True)
    h = (h - mean) / jnp.sqrt(var + 1e-5) * ln_scale + ln_bias
    # bias
    h = h + h_bias
    # self loop
    h = h + x @ loop_weight
    # activation=None, dropout=0.0 (identity at inference)
    return h

if __name__ == "__main__":
    import jax
    _d = setup_inputs()
    print(jax.jit(kernel)(*tuple(_d.values())))

</pallas_src>

<mosaic_0001>
#map = affine_map<(d0, d1) -> (0, 0)>
#map1 = affine_map<(d0, d1) -> (0, 0, 0)>
module attributes {stable_mosaic.version = 14 : i64} {
  func.func @_sc_body(%arg0: i32, %arg1: i32, %arg2: memref<210000x128xf32, #tpu.memory_space<hbm>>, %arg3: memref<32x79x128xi32, #tpu.memory_space<hbm>>, %arg4: memref<20224x128xf32, #tpu.memory_space<hbm>>, %arg5: memref<79x128xi32, #tpu.memory_space<vmem>>, %arg6: memref<128xi32, #tpu.memory_space<vmem>>, %arg7: memref<128xi32, #tpu.memory_space<vmem>>, %arg8: memref<128xi32, #tpu.memory_space<vmem>>, %arg9: memref<128xi32, #tpu.memory_space<vmem>>, %arg10: memref<128x128xf32, #tpu.memory_space<vmem>>, %arg11: memref<128x128xf32, #tpu.memory_space<vmem>>, %arg12: memref<10112x128xf32, #tpu.memory_space<vmem_shared>>, %arg13: memref<!tpu.dma_semaphore, #tpu.memory_space<semaphore_mem>>, %arg14: memref<!tpu.dma_semaphore, #tpu.memory_space<semaphore_mem>>) attributes {dimension_semantics = [#tpu.dimension_semantics<core_parallel>, #tpu.dimension_semantics<subcore_parallel>], iteration_bounds = array<i64: 2, 16>, scalar_prefetch = 0 : i64, scratch_operands = 10 : i64, tpu.core_type = #tpu.core_type<sc_vector_subcore>, window_params = [{transform_indices = #map}, {transform_indices = #map1}, {transform_indices = #map}]} {
    %mul3A = arith.constant 16 : i32
    %mul3A_0 = arith.muli %arg0, %mul3A : i32
    %add3A = arith.addi %mul3A_0, %arg1 : i32
    "tpu.region"() ({
      %run_scoped3A = tpu.sem_alloc : memref<!tpu.dma_semaphore, #tpu.memory_space<semaphore_mem>>
      %dma_start3A_151 = arith.constant 0 : i32
      %dma_start3A_152 = arith.constant 0 : i32
      %dma_start3A_153 = tpu.memref_slice %arg3[%add3A, %dma_start3A_151, %dma_start3A_152] : memref<32x79x128xi32, #tpu.memory_space<hbm>> -> memref<1x79x128xi32, #tpu.memory_space<hbm>>
      %dma_start3A_154 = tpu.memref_squeeze %dma_start3A_153 : memref<1x79x128xi32, #tpu.memory_space<hbm>> -> memref<79x128xi32, #tpu.memory_space<hbm>>
      %dma_start3A_155 = arith.constant 0 : i32
      %dma_start3A_156 = arith.constant 0 : i32
      %dma_start3A_157 = tpu.memref_slice %arg3[%add3A, %dma_start3A_155, %dma_start3A_156] : memref<32x79x128xi32, #tpu.memory_space<hbm>> -> memref<1x79x128xi32, #tpu.memory_space<hbm>>
      %dma_start3A_158 = tpu.memref_squeeze %dma_start3A_157 : memref<1x79x128xi32, #tpu.memory_space<hbm>> -> memref<79x128xi32, #tpu.memory_space<hbm>>
      tpu.enqueue_dma source(%dma_start3A_158 : memref<79x128xi32, #tpu.memory_space<hbm>>) target(%arg5 : memref<79x128xi32, #tpu.memory_space<vmem>>) target_semaphore(%run_scoped3A : memref<!tpu.dma_semaphore, #tpu.memory_space<semaphore_mem>>)
      %dma_wait3A_159 = arith.constant 0 : i32
      %dma_wait3A_160 = arith.constant 0 : i32
      %dma_wait3A_161 = tpu.memref_slice %arg3[%add3A, %dma_wait3A_159, %dma_wait3A_160] : memref<32x79x128xi32, #tpu.memory_space<hbm>> -> memref<1x79x128xi32, #tpu.memory_space<hbm>>
      %dma_wait3A_162 = tpu.memref_squeeze %dma_wait3A_161 : memref<1x79x128xi32, #tpu.memory_space<hbm>> -> memref<79x128xi32, #tpu.memory_space<hbm>>
      %dma_wait3A_163 = arith.constant 0 : i32
      %dma_wait3A_164 = arith.constant 0 : i32
      %dma_wait3A_165 = tpu.memref_slice %arg3[%add3A, %dma_wait3A_163, %dma_wait3A_164] : memref<32x79x128xi32, #tpu.memory_space<hbm>> -> memref<1x79x128xi32, #tpu.memory_space<hbm>>
      %dma_wait3A_166 = tpu.memref_squeeze %dma_wait3A_165 : memref<1x79x128xi32, #tpu.memory_space<hbm>> -> memref<79x128xi32, #tpu.memory_space<hbm>>
      tpu.wait_dma2 semaphore(%run_scoped3A : memref<!tpu.dma_semaphore, #tpu.memory_space<semaphore_mem>>) src(%dma_wait3A_166 : memref<79x128xi32, #tpu.memory_space<hbm>>) dst(%arg5 : memref<79x128xi32, #tpu.memory_space<vmem>>)
      tpu.yield
    }) : () -> ()
    %broadcast_in_dim3A = arith.constant 16383 : i32
    %broadcast_in_dim3A_1 = vector.broadcast %broadcast_in_dim3A : i32 to vector<16xi32>
    %broadcast_in_dim3A_2 = arith.constant 14 : i32
    %broadcast_in_dim3A_3 = vector.broadcast %broadcast_in_dim3A_2 : i32 to vector<16xi32>
    %scan3A = arith.constant 0 : i32
    %scan3A_4 = arith.constant 0 : i32
    %scan3A_5 = arith.constant 128 : i32
    %scan3A_6 = arith.addi %scan3A_4, %scan3A_5 : i32
    %scan3A_7 = arith.constant 1 : i32
    scf.for %scan3A_151 = %scan3A_4 to %scan3A_6 step %scan3A_7  : i32 {
      %broadcast_in_dim3A_152 = arith.constant 0.000000e+00 : f32
      %broadcast_in_dim3A_153 = vector.broadcast %broadcast_in_dim3A_152 : f32 to vector<16xf32>
      %swap3A_154 = arith.index_cast %scan3A_151 : i32 to index
      %swap3A_155 = arith.constant 0 : index
      %swap3A_156 = tpu.vector_load %arg10[%swap3A_154, %swap3A_155] {strides = array<i32>} : memref<128x128xf32, #tpu.memory_space<vmem>>, vector<1x16xf32>,
      %swap3A_157 = vector.shape_cast %swap3A_156 : vector<1x16xf32> to vector<16xf32>
      %swap3A_158 = vector.shape_cast %broadcast_in_dim3A_153 : vector<16xf32> to vector<1x16xf32>
      tpu.vector_store %arg10[%swap3A_154, %swap3A_155], %swap3A_158 {strides = array<i32>} : memref<128x128xf32, #tpu.memory_space<vmem>>, vector<1x16xf32>,
      %broadcast_in_dim3A_159 = arith.constant 0.000000e+00 : f32
      %broadcast_in_dim3A_160 = vector.broadcast %broadcast_in_dim3A_159 : f32 to vector<16xf32>
      %swap3A_161 = arith.index_cast %scan3A_151 : i32 to index
      %swap3A_162 = arith.constant 16 : index
      %swap3A_163 = tpu.vector_load %arg10[%swap3A_161, %swap3A_162] {strides = array<i32>} : memref<128x128xf32, #tpu.memory_space<vmem>>, vector<1x16xf32>,
      %swap3A_164 = vector.shape_cast %swap3A_163 : vector<1x16xf32> to vector<16xf32>
      %swap3A_165 = vector.shape_cast %broadcast_in_dim3A_160 : vector<16xf32> to vector<1x16xf32>
      tpu.vector_store %arg10[%swap3A_161, %swap3A_162], %swap3A_165 {strides = array<i32>} : memref<128x128xf32, #tpu.memory_space<vmem>>, vector<1x16xf32>,
      %broadcast_in_dim3A_166 = arith.constant 0.000000e+00 : f32
      %broadcast_in_dim3A_167 = vector.broadcast %broadcast_in_dim3A_166 : f32 to vector<16xf32>
      %swap3A_168 = arith.index_cast %scan3A_151 : i32 to index
      %swap3A_169 = arith.constant 32 : index
      %swap3A_170 = tpu.vector_load %arg10[%swap3A_168, %swap3A_169] {strides = array<i32>} : memref<128x128xf32, #tpu.memory_space<vmem>>, vector<1x16xf32>,
      %swap3A_171 = vector.shape_cast %swap3A_170 : vector<1x16xf32> to vector<16xf32>
      %swap3A_172 = vector.shape_cast %broadcast_in_dim3A_167 : vector<16xf32> to vector<1x16xf32>
      tpu.vector_store %arg10[%swap3A_168, %swap3A_169], %swap3A_172 {strides = array<i32>} : memref<128x128xf32, #tpu.memory_space<vmem>>, vector<1x16xf32>,
      %broadcast_in_dim3A_173 = arith.constant 0.000000e+00 : f32
      %broadcast_in_dim3A_174 = vector.broadcast %broadcast_in_dim3A_173 : f32 to vector<16xf32>
      %swap3A_175 = arith.index_cast %scan3A_151 : i32 to index
      %swap3A_176 = arith.constant 48 : index
      %swap3A_177 = tpu.vector_load %arg10[%swap3A_175, %swap3A_176] {strides = array<i32>} : memref<128x128xf32, #tpu.memory_space<vmem>>, vector<1x16xf32>,
      %swap3A_178 = vector.shape_cast %swap3A_177 : vector<1x16xf32> to vector<16xf32>
      %swap3A_179 = vector.shape_cast %broadcast_in_dim3A_174 : vector<16xf32> to vector<1x16xf32>
      tpu.vector_store %arg10[%swap3A_175, %swap3A_176], %swap3A_179 {strides = array<i32>} : memref<128x128xf32, #tpu.memory_space<vmem>>, vector<1x16xf32>,
      %broadcast_in_dim3A_180 = arith.constant 0.000000e+00 : f32
      %broadcast_in_dim3A_181 = vector.broadcast %broadcast_in_dim3A_180 : f32 to vector<16xf32>
      %swap3A_182 = arith.index_cast %scan3A_151 : i32 to index
      %swap3A_183 = arith.constant 64 : index
      %swap3A_184 = tpu.vector_load %arg10[%swap3A_182, %swap3A_183] {strides = array<i32>} : memref<128x128xf32, #tpu.memory_space<vmem>>, vector<1x16xf32>,
      %swap3A_185 = vector.shape_cast %swap3A_184 : vector<1x16xf32> to vector<16xf32>
      %swap3A_186 = vector.shape_cast %broadcast_in_dim3A_181 : vector<16xf32> to vector<1x16xf32>
      tpu.vector_store %arg10[%swap3A_182, %swap3A_183], %swap3A_186 {strides = array<i32>} : memref<128x128xf32, #tpu.memory_space<vmem>>, vector<1x16xf32>,
      %broadcast_in_dim3A_187 = arith.constant 0.000000e+00 : f32
      %broadcast_in_dim3A_188 = vector.broadcast %broadcast_in_dim3A_187 : f32 to vector<16xf32>
      %swap3A_189 = arith.index_cast %scan3A_151 : i32 to index
      %swap3A_190 = arith.constant 80 : index
      %swap3A_191 = tpu.vector_load %arg10[%swap3A_189, %swap3A_190] {strides = array<i32>} : memref<128x128xf32, #tpu.memory_space<vmem>>, vector<1x16xf32>,
      %swap3A_192 = vector.shape_cast %swap3A_191 : vector<1x16xf32> to vector<16xf32>
      %swap3A_193 = vector.shape_cast %broadcast_in_dim3A_188 : vector<16xf32> to vector<1x16xf32>
      tpu.vector_store %arg10[%swap3A_189, %swap3A_190], %swap3A_193 {strides = array<i32>} : memref<128x128xf32, #tpu.memory_space<vmem>>, vector<1x16xf32>,
      %broadcast_in_dim3A_194 = arith.constant 0.000000e+00 : f32
      %broadcast_in_dim3A_195 = vector.broadcast %broadcast_in_dim3A_194 : f32 to vector<16xf32>
      %swap3A_196 = arith.index_cast %scan3A_151 : i32 to index
      %swap3A_197 = arith.constant 96 : index
      %swap3A_198 = tpu.vector_load %arg10[%swap3A_196, %swap3A_197] {strides = array<i32>} : memref<128x128xf32, #tpu.memory_space<vmem>>, vector<1x16xf32>,
      %swap3A_199 = vector.shape_cast %swap3A_198 : vector<1x16xf32> to vector<16xf32>
      %swap3A_200 = vector.shape_cast %broadcast_in_dim3A_195 : vector<16xf32> to vector<1x16xf32>
      tpu.vector_store %arg10[%swap3A_196, %swap3A_197], %swap3A_200 {strides = array<i32>} : memref<128x128xf32, #tpu.memory_space<vmem>>, vector<1x16xf32>,
      %broadcast_in_dim3A_201 = arith.constant 0.000000e+00 : f32
      %broadcast_in_dim3A_202 = vector.broadcast %broadcast_in_dim3A_201 : f32 to vector<16xf32>
      %swap3A_203 = arith.index_cast %scan3A_151 : i32 to index
      %swap3A_204 = arith.constant 112 : index
      %swap3A_205 = tpu.vector_load %arg10[%swap3A_203, %swap3A_204] {strides = array<i32>} : memref<128x128xf32, #tpu.memory_space<vmem>>, vector<1x16xf32>,
      %swap3A_206 = vector.shape_cast %swap3A_205 : vector<1x16xf32> to vector<16xf32>
      %swap3A_207 = vector.shape_cast %broadcast_in_dim3A_202 : vector<16xf32> to vector<1x16xf32>
      tpu.vector_store %arg10[%swap3A_203, %swap3A_204], %swap3A_207 {strides = array<i32>} : memref<128x128xf32, #tpu.memory_space<vmem>>, vector<1x16xf32>,
    }
    %scan3A_8 = arith.constant 128 : i32
    %mul3A_9 = arith.constant 632 : i32
    %mul3A_10 = arith.muli %arg1, %mul3A_9 : i32
    %add3A_11 = arith.constant 0 : i32
    %add3A_12 = arith.addi %mul3A_10, %add3A_11 : i32
    "tpu.region"() ({
      %run_scoped3A = tpu.sem_alloc : memref<!tpu.dma_semaphore, #tpu.memory_space<semaphore_mem>>
      %dma_start3A_151 = arith.constant 0 : i32
      %dma_start3A_152 = tpu.memref_slice %arg12[%add3A_12, %dma_start3A_151] : memref<10112x128xf32, #tpu.memory_space<vmem_shared>> -> memref<128x128xf32, #tpu.memory_space<vmem_shared>>
      %dma_start3A_153 = arith.constant 0 : i32
      %dma_start3A_154 = tpu.memref_slice %arg12[%add3A_12, %dma_start3A_153] : memref<10112x128xf32, #tpu.memory_space<vmem_shared>> -> memref<128x128xf32, #tpu.memory_space<vmem_shared>>
      tpu.enqueue_dma source(%arg10 : memref<128x128xf32, #tpu.memory_space<vmem>>) target(%dma_start3A_154 : memref<128x128xf32, #tpu.memory_space<vmem_shared>>) target_semaphore(%run_scoped3A : memref<!tpu.dma_semaphore, #tpu.memory_space<semaphore_mem>>)
      %dma_wait3A_155 = arith.constant 0 : i32
      %dma_wait3A_156 = tpu.memref_slice %arg12[%add3A_12, %dma_wait3A_155] : memref<10112x128xf32, #tpu.memory_space<vmem_shared>> -> memref<128x128xf32, #tpu.memory_space<vmem_shared>>
      %dma_wait3A_157 = arith.constant 0 : i32
      %dma_wait3A_158 = tpu.memref_slice %arg12[%add3A_12, %dma_wait3A_157] : memref<10112x128xf32, #tpu.memory_space<vmem_shared>> -> memref<128x128xf32, #tpu.memory_space<vmem_shared>>
      tpu.wait_dma2 semaphore(%run_scoped3A : memref<!tpu.dma_semaphore, #tpu.memory_space<semaphore_mem>>) src(%arg10 : memref<128x128xf32, #tpu.memory_space<vmem>>) dst(%dma_wait3A_158 : memref<128x128xf32, #tpu.memory_space<vmem_shared>>)
      tpu.yield
    }) : () -> ()
    %add3A_13 = arith.constant 128 : i32
    %add3A_14 = arith.addi %mul3A_10, %add3A_13 : i32
    "tpu.region"() ({
      %run_scoped3A = tpu.sem_alloc : memref<!tpu.dma_semaphore, #tpu.memory_space<semaphore_mem>>
      %dma_start3A_151 = arith.constant 0 : i32
      %dma_start3A_152 = tpu.memref_slice %arg12[%add3A_14, %dma_start3A_151] : memref<10112x128xf32, #tpu.memory_space<vmem_shared>> -> memref<128x128xf32, #tpu.memory_space<vmem_shared>>
      %dma_start3A_153 = arith.constant 0 : i32
      %dma_start3A_154 = tpu.memref_slice %arg12[%add3A_14, %dma_start3A_153] : memref<10112x128xf32, #tpu.memory_space<vmem_shared>> -> memref<128x128xf32, #tpu.memory_space<vmem_shared>>
      tpu.enqueue_dma source(%arg10 : memref<128x128xf32, #tpu.memory_space<vmem>>) target(%dma_start3A_154 : memref<128x128xf32, #tpu.memory_space<vmem_shared>>) target_semaphore(%run_scoped3A : memref<!tpu.dma_semaphore, #tpu.memory_space<semaphore_mem>>)
      %dma_wait3A_155 = arith.constant 0 : i32
      %dma_wait3A_156 = tpu.memref_slice %arg12[%add3A_14, %dma_wait3A_155] : memref<10112x128xf32, #tpu.memory_space<vmem_shared>> -> memref<128x128xf32, #tpu.memory_space<vmem_shared>>
      %dma_wait3A_157 = arith.constant 0 : i32
      %dma_wait3A_158 = tpu.memref_slice %arg12[%add3A_14, %dma_wait3A_157] : memref<10112x128xf32, #tpu.memory_space<vmem_shared>> -> memref<128x128xf32, #tpu.memory_space<vmem_shared>>
      tpu.wait_dma2 semaphore(%run_scoped3A : memref<!tpu.dma_semaphore, #tpu.memory_space<semaphore_mem>>) src(%arg10 : memref<128x128xf32, #tpu.memory_space<vmem>>) dst(%dma_wait3A_158 : memref<128x128xf32, #tpu.memory_space<vmem_shared>>)
      tpu.yield
    }) : () -> ()
    %add3A_15 = arith.constant 256 : i32
    %add3A_16 = arith.addi %mul3A_10, %add3A_15 : i32
    "tpu.region"() ({
      %run_scoped3A = tpu.sem_alloc : memref<!tpu.dma_semaphore, #tpu.memory_space<semaphore_mem>>
      %dma_start3A_151 = arith.constant 0 : i32
      %dma_start3A_152 = tpu.memref_slice %arg12[%add3A_16, %dma_start3A_151] : memref<10112x128xf32, #tpu.memory_space<vmem_shared>> -> memref<128x128xf32, #tpu.memory_space<vmem_shared>>
      %dma_start3A_153 = arith.constant 0 : i32
      %dma_start3A_154 = tpu.memref_slice %arg12[%add3A_16, %dma_start3A_153] : memref<10112x128xf32, #tpu.memory_space<vmem_shared>> -> memref<128x128xf32, #tpu.memory_space<vmem_shared>>
      tpu.enqueue_dma source(%arg10 : memref<128x128xf32, #tpu.memory_space<vmem>>) target(%dma_start3A_154 : memref<128x128xf32, #tpu.memory_space<vmem_shared>>) target_semaphore(%run_scoped3A : memref<!tpu.dma_semaphore, #tpu.memory_space<semaphore_mem>>)
      %dma_wait3A_155 = arith.constant 0 : i32
      %dma_wait3A_156 = tpu.memref_slice %arg12[%add3A_16, %dma_wait3A_155] : memref<10112x128xf32, #tpu.memory_space<vmem_shared>> -> memref<128x128xf32, #tpu.memory_space<vmem_shared>>
      %dma_wait3A_157 = arith.constant 0 : i32
      %dma_wait3A_158 = tpu.memref_slice %arg12[%add3A_16, %dma_wait3A_157] : memref<10112x128xf32, #tpu.memory_space<vmem_shared>> -> memref<128x128xf32, #tpu.memory_space<vmem_shared>>
      tpu.wait_dma2 semaphore(%run_scoped3A : memref<!tpu.dma_semaphore, #tpu.memory_space<semaphore_mem>>) src(%arg10 : memref<128x128xf32, #tpu.memory_space<vmem>>) dst(%dma_wait3A_158 : memref<128x128xf32, #tpu.memory_space<vmem_shared>>)
      tpu.yield
    }) : () -> ()
    %add3A_17 = arith.constant 384 : i32
    %add3A_18 = arith.addi %mul3A_10, %add3A_17 : i32
    "tpu.region"() ({
      %run_scoped3A = tpu.sem_alloc : memref<!tpu.dma_semaphore, #tpu.memory_space<semaphore_mem>>
      %dma_start3A_151 = arith.constant 0 : i32
      %dma_start3A_152 = tpu.memref_slice %arg12[%add3A_18, %dma_start3A_151] : memref<10112x128xf32, #tpu.memory_space<vmem_shared>> -> memref<128x128xf32, #tpu.memory_space<vmem_shared>>
      %dma_start3A_153 = arith.constant 0 : i32
      %dma_start3A_154 = tpu.memref_slice %arg12[%add3A_18, %dma_start3A_153] : memref<10112x128xf32, #tpu.memory_space<vmem_shared>> -> memref<128x128xf32, #tpu.memory_space<vmem_shared>>
      tpu.enqueue_dma source(%arg10 : memref<128x128xf32, #tpu.memory_space<vmem>>) target(%dma_start3A_154 : memref<128x128xf32, #tpu.memory_space<vmem_shared>>) target_semaphore(%run_scoped3A : memref<!tpu.dma_semaphore, #tpu.memory_space<semaphore_mem>>)
      %dma_wait3A_155 = arith.constant 0 : i32
      %dma_wait3A_156 = tpu.memref_slice %arg12[%add3A_18, %dma_wait3A_155] : memref<10112x128xf32, #tpu.memory_space<vmem_shared>> -> memref<128x128xf32, #tpu.memory_space<vmem_shared>>
      %dma_wait3A_157 = arith.constant 0 : i32
      %dma_wait3A_158 = tpu.memref_slice %arg12[%add3A_18, %dma_wait3A_157] : memref<10112x128xf32, #tpu.memory_space<vmem_shared>> -> memref<128x128xf32, #tpu.memory_space<vmem_shared>>
      tpu.wait_dma2 semaphore(%run_scoped3A : memref<!tpu.dma_semaphore, #tpu.memory_space<semaphore_mem>>) src(%arg10 : memref<128x128xf32, #tpu.memory_space<vmem>>) dst(%dma_wait3A_158 : memref<128x128xf32, #tpu.memory_space<vmem_shared>>)
      tpu.yield
    }) : () -> ()
    %add3A_19 = arith.constant 512 : i32
    %add3A_20 = arith.addi %mul3A_10, %add3A_19 : i32
    "tpu.region"() ({
      %run_scoped3A = tpu.sem_alloc : memref<!tpu.dma_semaphore, #tpu.memory_space<semaphore_mem>>
      %dma_start3A_151 = arith.constant 0 : i32
      %dma_start3A_152 = arith.constant 0 : i32
      %dma_start3A_153 = tpu.memref_slice %arg10[%dma_start3A_151, %dma_start3A_152] : memref<128x128xf32, #tpu.memory_space<vmem>> -> memref<120x128xf32, #tpu.memory_space<vmem>>
      %dma_start3A_154 = arith.constant 0 : i32
      %dma_start3A_155 = tpu.memref_slice %arg12[%add3A_20, %dma_start3A_154] : memref<10112x128xf32, #tpu.memory_space<vmem_shared>> -> memref<120x128xf32, #tpu.memory_space<vmem_shared>>
      %dma_start3A_156 = arith.constant 0 : i32
      %dma_start3A_157 = tpu.memref_slice %arg12[%add3A_20, %dma_start3A_156] : memref<10112x128xf32, #tpu.memory_space<vmem_shared>> -> memref<120x128xf32, #tpu.memory_space<vmem_shared>>
      %dma_start3A_158 = arith.constant 0 : i32
      %dma_start3A_159 = arith.constant 0 : i32
      %dma_start3A_160 = tpu.memref_slice %arg10[%dma_start3A_158, %dma_start3A_159] : memref<128x128xf32, #tpu.memory_space<vmem>> -> memref<120x128xf32, #tpu.memory_space<vmem>>
      tpu.enqueue_dma source(%dma_start3A_160 : memref<120x128xf32, #tpu.memory_space<vmem>>) target(%dma_start3A_157 : memref<120x128xf32, #tpu.memory_space<vmem_shared>>) target_semaphore(%run_scoped3A : memref<!tpu.dma_semaphore, #tpu.memory_space<semaphore_mem>>)
      %dma_wait3A_161 = arith.constant 0 : i32
      %dma_wait3A_162 = arith.constant 0 : i32
      %dma_wait3A_163 = tpu.memref_slice %arg10[%dma_wait3A_161, %dma_wait3A_162] : memref<128x128xf32, #tpu.memory_space<vmem>> -> memref<120x128xf32, #tpu.memory_space<vmem>>
      %dma_wait3A_164 = arith.constant 0 : i32
      %dma_wait3A_165 = tpu.memref_slice %arg12[%add3A_20, %dma_wait3A_164] : memref<10112x128xf32, #tpu.memory_space<vmem_shared>> -> memref<120x128xf32, #tpu.memory_space<vmem_shared>>
      %dma_wait3A_166 = arith.constant 0 : i32
      %dma_wait3A_167 = tpu.memref_slice %arg12[%add3A_20, %dma_wait3A_166] : memref<10112x128xf32, #tpu.memory_space<vmem_shared>> -> memref<120x128xf32, #tpu.memory_space<vmem_shared>>
      %dma_wait3A_168 = arith.constant 0 : i32
      %dma_wait3A_169 = arith.constant 0 : i32
      %dma_wait3A_170 = tpu.memref_slice %arg10[%dma_wait3A_168, %dma_wait3A_169] : memref<128x128xf32, #tpu.memory_space<vmem>> -> memref<120x128xf32, #tpu.memory_space<vmem>>
      tpu.wait_dma2 semaphore(%run_scoped3A : memref<!tpu.dma_semaphore, #tpu.memory_space<semaphore_mem>>) src(%dma_wait3A_170 : memref<120x128xf32, #tpu.memory_space<vmem>>) dst(%dma_wait3A_167 : memref<120x128xf32, #tpu.memory_space<vmem_shared>>)
      tpu.yield
    }) : () -> ()
    %barrier3A = arith.constant 0 : index
    tpu.barrier barrier_id(%barrier3A)
    %get3A = arith.constant 0 : i32
    %get3A_21 = arith.index_cast %get3A : i32 to index
    %get3A_22 = arith.constant 0 : index
    %get3A_23 = tpu.vector_load %arg5[%get3A_21, %get3A_22] {strides = array<i32>} : memref<79x128xi32, #tpu.memory_space<vmem>>, vector<1x16xi32>,
    %get3A_24 = vector.shape_cast %get3A_23 : vector<1x16xi32> to vector<16xi32>
    %shift_right_logical3A = arith.shrui %get3A_24, %broadcast_in_dim3A_3 : vector<16xi32>
    %swap3A = arith.constant 0 : index
    %swap3A_25 = tpu.vector_load %arg6[%swap3A] {strides = array<i32>} : memref<128xi32, #tpu.memory_space<vmem>>, vector<16xi32>,
    %swap3A_26 = vector.shape_cast %swap3A_25 : vector<16xi32> to vector<16xi32>
    %swap3A_27 = vector.shape_cast %shift_right_logical3A : vector<16xi32> to vector<16xi32>
    tpu.vector_store %arg6[%swap3A], %swap3A_27 {strides = array<i32>} : memref<128xi32, #tpu.memory_space<vmem>>, vector<16xi32>,
    %and3A = arith.andi %get3A_24, %broadcast_in_dim3A_1 : vector<16xi32>
    %swap3A_28 = arith.constant 0 : index
    %swap3A_29 = tpu.vector_load %arg7[%swap3A_28] {strides = array<i32>} : memref<128xi32, #tpu.memory_space<vmem>>, vector<16xi32>,
    %swap3A_30 = vector.shape_cast %swap3A_29 : vector<16xi32> to vector<16xi32>
    %swap3A_31 = vector.shape_cast %and3A : vector<16xi32> to vector<16xi32>
    tpu.vector_store %arg7[%swap3A_28], %swap3A_31 {strides = array<i32>} : memref<128xi32, #tpu.memory_space<vmem>>, vector<16xi32>,
    %get3A_32 = arith.constant 0 : i32
    %get3A_33 = arith.index_cast %get3A_32 : i32 to index
    %get3A_34 = arith.constant 16 : index
    %get3A_35 = tpu.vector_load %arg5[%get3A_33, %get3A_34] {strides = array<i32>} : memref<79x128xi32, #tpu.memory_space<vmem>>, vector<1x16xi32>,
    %get3A_36 = vector.shape_cast %get3A_35 : vector<1x16xi32> to vector<16xi32>
    %shift_right_logical3A_37 = arith.shrui %get3A_36, %broadcast_in_dim3A_3 : vector<16xi32>
    %swap3A_38 = arith.constant 16 : index
    %swap3A_39 = tpu.vector_load %arg6[%swap3A_38] {strides = array<i32>} : memref<128xi32, #tpu.memory_space<vmem>>, vector<16xi32>,
    %swap3A_40 = vector.shape_cast %swap3A_39 : vector<16xi32> to vector<16xi32>
    %swap3A_41 = vector.shape_cast %shift_right_logical3A_37 : vector<16xi32> to vector<16xi32>
    tpu.vector_store %arg6[%swap3A_38], %swap3A_41 {strides = array<i32>} : memref<128xi32, #tpu.memory_space<vmem>>, vector<16xi32>,
    %and3A_42 = arith.andi %get3A_36, %broadcast_in_dim3A_1 : vector<16xi32>
    %swap3A_43 = arith.constant 16 : index
    %swap3A_44 = tpu.vector_load %arg7[%swap3A_43] {strides = array<i32>} : memref<128xi32, #tpu.memory_space<vmem>>, vector<16xi32>,
    %swap3A_45 = vector.shape_cast %swap3A_44 : vector<16xi32> to vector<16xi32>
    %swap3A_46 = vector.shape_cast %and3A_42 : vector<16xi32> to vector<16xi32>
    tpu.vector_store %arg7[%swap3A_43], %swap3A_46 {strides = array<i32>} : memref<128xi32, #tpu.memory_space<vmem>>, vector<16xi32>,
    %get3A_47 = arith.constant 0 : i32
    %get3A_48 = arith.index_cast %get3A_47 : i32 to index
    %get3A_49 = arith.constant 32 : index
    %get3A_50 = tpu.vector_load %arg5[%get3A_48, %get3A_49] {strides = array<i32>} : memref<79x128xi32, #tpu.memory_space<vmem>>, vector<1x16xi32>,
    %get3A_51 = vector.shape_cast %get3A_50 : vector<1x16xi32> to vector<16xi32>
    %shift_right_logical3A_52 = arith.shrui %get3A_51, %broadcast_in_dim3A_3 : vector<16xi32>
    %swap3A_53 = arith.constant 32 : index
    %swap3A_54 = tpu.vector_load %arg6[%swap3A_53] {strides = array<i32>} : memref<128xi32, #tpu.memory_space<vmem>>, vector<16xi32>,
    %swap3A_55 = vector.shape_cast %swap3A_54 : vector<16xi32> to vector<16xi32>
    %swap3A_56 = vector.shape_cast %shift_right_logical3A_52 : vector<16xi32> to vector<16xi32>
    tpu.vector_store %arg6[%swap3A_53], %swap3A_56 {strides = array<i32>} : memref<128xi32, #tpu.memory_space<vmem>>, vector<16xi32>,
    %and3A_57 = arith.andi %get3A_51, %broadcast_in_dim3A_1 : vector<16xi32>
    %swap3A_58 = arith.constant 32 : index
    %swap3A_59 = tpu.vector_load %arg7[%swap3A_58] {strides = array<i32>} : memref<128xi32, #tpu.memory_space<vmem>>, vector<16xi32>,
    %swap3A_60 = vector.shape_cast %swap3A_59 : vector<16xi32> to vector<16xi32>
    %swap3A_61 = vector.shape_cast %and3A_57 : vector<16xi32> to vector<16xi32>
    tpu.vector_store %arg7[%swap3A_58], %swap3A_61 {strides = array<i32>} : memref<128xi32, #tpu.memory_space<vmem>>, vector<16xi32>,
    %get3A_62 = arith.constant 0 : i32
    %get3A_63 = arith.index_cast %get3A_62 : i32 to index
    %get3A_64 = arith.constant 48 : index
    %get3A_65 = tpu.vector_load %arg5[%get3A_63, %get3A_64] {strides = array<i32>} : memref<79x128xi32, #tpu.memory_space<vmem>>, vector<1x16xi32>,
    %get3A_66 = vector.shape_cast %get3A_65 : vector<1x16xi32> to vector<16xi32>
    %shift_right_logical3A_67 = arith.shrui %get3A_66, %broadcast_in_dim3A_3 : vector<16xi32>
    %swap3A_68 = arith.constant 48 : index
    %swap3A_69 = tpu.vector_load %arg6[%swap3A_68] {strides = array<i32>} : memref<128xi32, #tpu.memory_space<vmem>>, vector<16xi32>,
    %swap3A_70 = vector.shape_cast %swap3A_69 : vector<16xi32> to vector<16xi32>
    %swap3A_71 = vector.shape_cast %shift_right_logical3A_67 : vector<16xi32> to vector<16xi32>
    tpu.vector_store %arg6[%swap3A_68], %swap3A_71 {strides = array<i32>} : memref<128xi32, #tpu.memory_space<vmem>>, vector<16xi32>,
    %and3A_72 = arith.andi %get3A_66, %broadcast_in_dim3A_1 : vector<16xi32>
    %swap3A_73 = arith.constant 48 : index
    %swap3A_74 = tpu.vector_load %arg7[%swap3A_73] {strides = array<i32>} : memref<128xi32, #tpu.memory_space<vmem>>, vector<16xi32>,
    %swap3A_75 = vector.shape_cast %swap3A_74 : vector<16xi32> to vector<16xi32>
    %swap3A_76 = vector.shape_cast %and3A_72 : vector<16xi32> to vector<16xi32>
    tpu.vector_store %arg7[%swap3A_73], %swap3A_76 {strides = array<i32>} : memref<128xi32, #tpu.memory_space<vmem>>, vector<16xi32>,
    %get3A_77 = arith.constant 0 : i32
    %get3A_78 = arith.index_cast %get3A_77 : i32 to index
    %get3A_79 = arith.constant 64 : index
    %get3A_80 = tpu.vector_load %arg5[%get3A_78, %get3A_79] {strides = array<i32>} : memref<79x128xi32, #tpu.memory_space<vmem>>, vector<1x16xi32>,
    %get3A_81 = vector.shape_cast %get3A_80 : vector<1x16xi32> to vector<16xi32>
    %shift_right_logical3A_82 = arith.shrui %get3A_81, %broadcast_in_dim3A_3 : vector<16xi32>
    %swap3A_83 = arith.constant 64 : index
    %swap3A_84 = tpu.vector_load %arg6[%swap3A_83] {strides = array<i32>} : memref<128xi32, #tpu.memory_space<vmem>>, vector<16xi32>,
    %swap3A_85 = vector.shape_cast %swap3A_84 : vector<16xi32> to vector<16xi32>
    %swap3A_86 = vector.shape_cast %shift_right_logical3A_82 : vector<16xi32> to vector<16xi32>
    tpu.vector_store %arg6[%swap3A_83], %swap3A_86 {strides = array<i32>} : memref<128xi32, #tpu.memory_space<vmem>>, vector<16xi32>,
    %and3A_87 = arith.andi %get3A_81, %broadcast_in_dim3A_1 : vector<16xi32>
    %swap3A_88 = arith.constant 64 : index
    %swap3A_89 = tpu.vector_load %arg7[%swap3A_88] {strides = array<i32>} : memref<128xi32, #tpu.memory_space<vmem>>, vector<16xi32>,
    %swap3A_90 = vector.shape_cast %swap3A_89 : vector<16xi32> to vector<16xi32>
    %swap3A_91 = vector.shape_cast %and3A_87 : vector<16xi32> to vector<16xi32>
    tpu.vector_store %arg7[%swap3A_88], %swap3A_91 {strides = array<i32>} : memref<128xi32, #tpu.memory_space<vmem>>, vector<16xi32>,
    %get3A_92 = arith.constant 0 : i32
    %get3A_93 = arith.index_cast %get3A_92 : i32 to index
    %get3A_94 = arith.constant 80 : index
    %get3A_95 = tpu.vector_load %arg5[%get3A_93, %get3A_94] {strides = array<i32>} : memref<79x128xi32, #tpu.memory_space<vmem>>, vector<1x16xi32>,
    %get3A_96 = vector.shape_cast %get3A_95 : vector<1x16xi32> to vector<16xi32>
    %shift_right_logical3A_97 = arith.shrui %get3A_96, %broadcast_in_dim3A_3 : vector<16xi32>
    %swap3A_98 = arith.constant 80 : index
    %swap3A_99 = tpu.vector_load %arg6[%swap3A_98] {strides = array<i32>} : memref<128xi32, #tpu.memory_space<vmem>>, vector<16xi32>,
    %swap3A_100 = vector.shape_cast %swap3A_99 : vector<16xi32> to vector<16xi32>
    %swap3A_101 = vector.shape_cast %shift_right_logical3A_97 : vector<16xi32> to vector<16xi32>
    tpu.vector_store %arg6[%swap3A_98], %swap3A_101 {strides = array<i32>} : memref<128xi32, #tpu.memory_space<vmem>>, vector<16xi32>,
    %and3A_102 = arith.andi %get3A_96, %broadcast_in_dim3A_1 : vector<16xi32>
    %swap3A_103 = arith.constant 80 : index
    %swap3A_104 = tpu.vector_load %arg7[%swap3A_103] {strides = array<i32>} : memref<128xi32, #tpu.memory_space<vmem>>, vector<16xi32>,
    %swap3A_105 = vector.shape_cast %swap3A_104 : vector<16xi32> to vector<16xi32>
    %swap3A_106 = vector.shape_cast %and3A_102 : vector<16xi32> to vector<16xi32>
    tpu.vector_store %arg7[%swap3A_103], %swap3A_106 {strides = array<i32>} : memref<128xi32, #tpu.memory_space<vmem>>, vector<16xi32>,
    %get3A_107 = arith.constant 0 : i32
    %get3A_108 = arith.index_cast %get3A_107 : i32 to index
    %get3A_109 = arith.constant 96 : index
    %get3A_110 = tpu.vector_load %arg5[%get3A_108, %get3A_109] {strides = array<i32>} : memref<79x128xi32, #tpu.memory_space<vmem>>, vector<1x16xi32>,
    %get3A_111 = vector.shape_cast %get3A_110 : vector<1x16xi32> to vector<16xi32>
    %shift_right_logical3A_112 = arith.shrui %get3A_111, %broadcast_in_dim3A_3 : vector<16xi32>
    %swap3A_113 = arith.constant 96 : index
    %swap3A_114 = tpu.vector_load %arg6[%swap3A_113] {strides = array<i32>} : memref<128xi32, #tpu.memory_space<vmem>>, vector<16xi32>,
    %swap3A_115 = vector.shape_cast %swap3A_114 : vector<16xi32> to vector<16xi32>
    %swap3A_116 = vector.shape_cast %shift_right_logical3A_112 : vector<16xi32> to vector<16xi32>
    tpu.vector_store %arg6[%swap3A_113], %swap3A_116 {strides = array<i32>} : memref<128xi32, #tpu.memory_space<vmem>>, vector<16xi32>,
    %and3A_117 = arith.andi %get3A_111, %broadcast_in_dim3A_1 : vector<16xi32>
    %swap3A_118 = arith.constant 96 : index
    %swap3A_119 = tpu.vector_load %arg7[%swap3A_118] {strides = array<i32>} : memref<128xi32, #tpu.memory_space<vmem>>, vector<16xi32>,
    %swap3A_120 = vector.shape_cast %swap3A_119 : vector<16xi32> to vector<16xi32>
    %swap3A_121 = vector.shape_cast %and3A_117 : vector<16xi32> to vector<16xi32>
    tpu.vector_store %arg7[%swap3A_118], %swap3A_121 {strides = array<i32>} : memref<128xi32, #tpu.memory_space<vmem>>, vector<16xi32>,
    %get3A_122 = arith.constant 0 : i32
    %get3A_123 = arith.index_cast %get3A_122 : i32 to index
    %get3A_124 = arith.constant 112 : index
    %get3A_125 = tpu.vector_load %arg5[%get3A_123, %get3A_124] {strides = array<i32>} : memref<79x128xi32, #tpu.memory_space<vmem>>, vector<1x16xi32>,
    %get3A_126 = vector.shape_cast %get3A_125 : vector<1x16xi32> to vector<16xi32>
    %shift_right_logical3A_127 = arith.shrui %get3A_126, %broadcast_in_dim3A_3 : vector<16xi32>
    %swap3A_128 = arith.constant 112 : index
    %swap3A_129 = tpu.vector_load %arg6[%swap3A_128] {strides = array<i32>} : memref<128xi32, #tpu.memory_space<vmem>>, vector<16xi32>,
    %swap3A_130 = vector.shape_cast %swap3A_129 : vector<16xi32> to vector<16xi32>
    %swap3A_131 = vector.shape_cast %shift_right_logical3A_127 : vector<16xi32> to vector<16xi32>
    tpu.vector_store %arg6[%swap3A_128], %swap3A_131 {strides = array<i32>} : memref<128xi32, #tpu.memory_space<vmem>>, vector<16xi32>,
    %and3A_132 = arith.andi %get3A_126, %broadcast_in_dim3A_1 : vector<16xi32>
    %swap3A_133 = arith.constant 112 : index
    %swap3A_134 = tpu.vector_load %arg7[%swap3A_133] {strides = array<i32>} : memref<128xi32, #tpu.memory_space<vmem>>, vector<16xi32>,
    %swap3A_135 = vector.shape_cast %swap3A_134 : vector<16xi32> to vector<16xi32>
    %swap3A_136 = vector.shape_cast %and3A_132 : vector<16xi32> to vector<16xi32>
    tpu.vector_store %arg7[%swap3A_133], %swap3A_136 {strides = array<i32>} : memref<128xi32, #tpu.memory_space<vmem>>, vector<16xi32>,
    %dma_start3A = arith.constant 0 : i32
    %dma_start3A_137 = arith.constant 0 : i32
    %dma_start3A_138 = tpu.memref_slice %arg2[%dma_start3A, %dma_start3A_137] : memref<210000x128xf32, #tpu.memory_space<hbm>> -> memref<210000x128xf32, #tpu.memory_space<hbm>>
    tpu.enqueue_indirect_dma source(%dma_start3A_138 : memref<210000x128xf32, #tpu.memory_space<hbm>>) target(%arg10 : memref<128x128xf32, #tpu.memory_space<vmem>>) offsets(%arg6 : memref<128xi32, #tpu.memory_space<vmem>>) semaphore(%arg13 : memref<!tpu.dma_semaphore, #tpu.memory_space<semaphore_mem>>)
    %scan3A_139 = arith.constant 0 : i32
    %scan3A_140 = arith.constant 0 : i32
    %scan3A_141 = arith.constant 39 : i32
    %scan3A_142 = arith.addi %scan3A_140, %scan3A_141 : i32
    %scan3A_143 = arith.constant 1 : i32
    scf.for %scan3A_151 = %scan3A_140 to %scan3A_142 step %scan3A_143  : i32 {
      %mul3A_152 = arith.constant 2 : i32
      %mul3A_153 = arith.muli %mul3A_152, %scan3A_151 : i32
      %add3A_154 = arith.constant 1 : i32
      %add3A_155 = arith.addi %mul3A_153, %add3A_154 : i32
      %get3A_156 = arith.index_cast %add3A_155 : i32 to index
      %get3A_157 = arith.constant 0 : index
      %get3A_158 = tpu.vector_load %arg5[%get3A_156, %get3A_157] {strides = array<i32>} : memref<79x128xi32, #tpu.memory_space<vmem>>, vector<1x16xi32>,
      %get3A_159 = vector.shape_cast %get3A_158 : vector<1x16xi32> to vector<16xi32>
      %shift_right_logical3A_160 = arith.shrui %get3A_159, %broadcast_in_dim3A_3 : vector<16xi32>
      %swap3A_161 = arith.constant 0 : index
      %swap3A_162 = tpu.vector_load %arg8[%swap3A_161] {strides = array<i32>} : memref<128xi32, #tpu.memory_space<vmem>>, vector<16xi32>,
      %swap3A_163 = vector.shape_cast %swap3A_162 : vector<16xi32> to vector<16xi32>
      %swap3A_164 = vector.shape_cast %shift_right_logical3A_160 : vector<16xi32> to vector<16xi32>
      tpu.vector_store %arg8[%swap3A_161], %swap3A_164 {strides = array<i32>} : memref<128xi32, #tpu.memory_space<vmem>>, vector<16xi32>,
      %and3A_165 = arith.andi %get3A_159, %broadcast_in_dim3A_1 : vector<16xi32>
      %swap3A_166 = arith.constant 0 : index
      %swap3A_167 = tpu.vector_load %arg9[%swap3A_166] {strides = array<i32>} : memref<128xi32, #tpu.memory_space<vmem>>, vector<16xi32>,
      %swap3A_168 = vector.shape_cast %swap3A_167 : vector<16xi32> to vector<16xi32>
      %swap3A_169 = vector.shape_cast %and3A_165 : vector<16xi32> to vector<16xi32>
      tpu.vector_store %arg9[%swap3A_166], %swap3A_169 {strides = array<i32>} : memref<128xi32, #tpu.memory_space<vmem>>, vector<16xi32>,
      %get3A_170 = arith.index_cast %add3A_155 : i32 to index
      %get3A_171 = arith.constant 16 : index
      %get3A_172 = tpu.vector_load %arg5[%get3A_170, %get3A_171] {strides = array<i32>} : memref<79x128xi32, #tpu.memory_space<vmem>>, vector<1x16xi32>,
      %get3A_173 = vector.shape_cast %get3A_172 : vector<1x16xi32> to vector<16xi32>
      %shift_right_logical3A_174 = arith.shrui %get3A_173, %broadcast_in_dim3A_3 : vector<16xi32>
      %swap3A_175 = arith.constant 16 : index
      %swap3A_176 = tpu.vector_load %arg8[%swap3A_175] {strides = array<i32>} : memref<128xi32, #tpu.memory_space<vmem>>, vector<16xi32>,
      %swap3A_177 = vector.shape_cast %swap3A_176 : vector<16xi32> to vector<16xi32>
      %swap3A_178 = vector.shape_cast %shift_right_logical3A_174 : vector<16xi32> to vector<16xi32>
      tpu.vector_store %arg8[%swap3A_175], %swap3A_178 {strides = array<i32>} : memref<128xi32, #tpu.memory_space<vmem>>, vector<16xi32>,
      %and3A_179 = arith.andi %get3A_173, %broadcast_in_dim3A_1 : vector<16xi32>
      %swap3A_180 = arith.constant 16 : index
      %swap3A_181 = tpu.vector_load %arg9[%swap3A_180] {strides = array<i32>} : memref<128xi32, #tpu.memory_space<vmem>>, vector<16xi32>,
      %swap3A_182 = vector.shape_cast %swap3A_181 : vector<16xi32> to vector<16xi32>
      %swap3A_183 = vector.shape_cast %and3A_179 : vector<16xi32> to vector<16xi32>
      tpu.vector_store %arg9[%swap3A_180], %swap3A_183 {strides = array<i32>} : memref<128xi32, #tpu.memory_space<vmem>>, vector<16xi32>,
      %get3A_184 = arith.index_cast %add3A_155 : i32 to index
      %get3A_185 = arith.constant 32 : index
      %get3A_186 = tpu.vector_load %arg5[%get3A_184, %get3A_185] {strides = array<i32>} : memref<79x128xi32, #tpu.memory_space<vmem>>, vector<1x16xi32>,
      %get3A_187 = vector.shape_cast %get3A_186 : vector<1x16xi32> to vector<16xi32>
      %shift_right_logical3A_188 = arith.shrui %get3A_187, %broadcast_in_dim3A_3 : vector<16xi32>
      %swap3A_189 = arith.constant 32 : index
      %swap3A_190 = tpu.vector_load %arg8[%swap3A_189] {strides = array<i32>} : memref<128xi32, #tpu.memory_space<vmem>>, vector<16xi32>,
      %swap3A_191 = vector.shape_cast %swap3A_190 : vector<16xi32> to vector<16xi32>
      %swap3A_192 = vector.shape_cast %shift_right_logical3A_188 : vector<16xi32> to vector<16xi32>
      tpu.vector_store %arg8[%swap3A_189], %swap3A_192 {strides = array<i32>} : memref<128xi32, #tpu.memory_space<vmem>>, vector<16xi32>,
      %and3A_193 = arith.andi %get3A_187, %broadcast_in_dim3A_1 : vector<16xi32>
      %swap3A_194 = arith.constant 32 : index
      %swap3A_195 = tpu.vector_load %arg9[%swap3A_194] {strides = array<i32>} : memref<128xi32, #tpu.memory_space<vmem>>, vector<16xi32>,
      %swap3A_196 = vector.shape_cast %swap3A_195 : vector<16xi32> to vector<16xi32>
      %swap3A_197 = vector.shape_cast %and3A_193 : vector<16xi32> to vector<16xi32>
      tpu.vector_store %arg9[%swap3A_194], %swap3A_197 {strides = array<i32>} : memref<128xi32, #tpu.memory_space<vmem>>, vector<16xi32>,
      %get3A_198 = arith.index_cast %add3A_155 : i32 to index
      %get3A_199 = arith.constant 48 : index
      %get3A_200 = tpu.vector_load %arg5[%get3A_198, %get3A_199] {strides = array<i32>} : memref<79x128xi32, #tpu.memory_space<vmem>>, vector<1x16xi32>,
      %get3A_201 = vector.shape_cast %get3A_200 : vector<1x16xi32> to vector<16xi32>
      %shift_right_logical3A_202 = arith.shrui %get3A_201, %broadcast_in_dim3A_3 : vector<16xi32>
      %swap3A_203 = arith.constant 48 : index
      %swap3A_204 = tpu.vector_load %arg8[%swap3A_203] {strides = array<i32>} : memref<128xi32, #tpu.memory_space<vmem>>, vector<16xi32>,
      %swap3A_205 = vector.shape_cast %swap3A_204 : vector<16xi32> to vector<16xi32>
      %swap3A_206 = vector.shape_cast %shift_right_logical3A_202 : vector<16xi32> to vector<16xi32>
      tpu.vector_store %arg8[%swap3A_203], %swap3A_206 {strides = array<i32>} : memref<128xi32, #tpu.memory_space<vmem>>, vector<16xi32>,
      %and3A_207 = arith.andi %get3A_201, %broadcast_in_dim3A_1 : vector<16xi32>
      %swap3A_208 = arith.constant 48 : index
      %swap3A_209 = tpu.vector_load %arg9[%swap3A_208] {strides = array<i32>} : memref<128xi32, #tpu.memory_space<vmem>>, vector<16xi32>,
      %swap3A_210 = vector.shape_cast %swap3A_209 : vector<16xi32> to vector<16xi32>
      %swap3A_211 = vector.shape_cast %and3A_207 : vector<16xi32> to vector<16xi32>
      tpu.vector_store %arg9[%swap3A_208], %swap3A_211 {strides = array<i32>} : memref<128xi32, #tpu.memory_space<vmem>>, vector<16xi32>,
      %get3A_212 = arith.index_cast %add3A_155 : i32 to index
      %get3A_213 = arith.constant 64 : index
      %get3A_214 = tpu.vector_load %arg5[%get3A_212, %get3A_213] {strides = array<i32>} : memref<79x128xi32, #tpu.memory_space<vmem>>, vector<1x16xi32>,
      %get3A_215 = vector.shape_cast %get3A_214 : vector<1x16xi32> to vector<16xi32>
      %shift_right_logical3A_216 = arith.shrui %get3A_215, %broadcast_in_dim3A_3 : vector<16xi32>
      %swap3A_217 = arith.constant 64 : index
      %swap3A_218 = tpu.vector_load %arg8[%swap3A_217] {strides = array<i32>} : memref<128xi32, #tpu.memory_space<vmem>>, vector<16xi32>,
      %swap3A_219 = vector.shape_cast %swap3A_218 : vector<16xi32> to vector<16xi32>
      %swap3A_220 = vector.shape_cast %shift_right_logical3A_216 : vector<16xi32> to vector<16xi32>
      tpu.vector_store %arg8[%swap3A_217], %swap3A_220 {strides = array<i32>} : memref<128xi32, #tpu.memory_space<vmem>>, vector<16xi32>,
      %and3A_221 = arith.andi %get3A_215, %broadcast_in_dim3A_1 : vector<16xi32>
      %swap3A_222 = arith.constant 64 : index
      %swap3A_223 = tpu.vector_load %arg9[%swap3A_222] {strides = array<i32>} : memref<128xi32, #tpu.memory_space<vmem>>, vector<16xi32>,
      %swap3A_224 = vector.shape_cast %swap3A_223 : vector<16xi32> to vector<16xi32>
      %swap3A_225 = vector.shape_cast %and3A_221 : vector<16xi32> to vector<16xi32>
      tpu.vector_store %arg9[%swap3A_222], %swap3A_225 {strides = array<i32>} : memref<128xi32, #tpu.memory_space<vmem>>, vector<16xi32>,
      %get3A_226 = arith.index_cast %add3A_155 : i32 to index
      %get3A_227 = arith.constant 80 : index
      %get3A_228 = tpu.vector_load %arg5[%get3A_226, %get3A_227] {strides = array<i32>} : memref<79x128xi32, #tpu.memory_space<vmem>>, vector<1x16xi32>,
      %get3A_229 = vector.shape_cast %get3A_228 : vector<1x16xi32> to vector<16xi32>
      %shift_right_logical3A_230 = arith.shrui %get3A_229, %broadcast_in_dim3A_3 : vector<16xi32>
      %swap3A_231 = arith.constant 80 : index
      %swap3A_232 = tpu.vector_load %arg8[%swap3A_231] {strides = array<i32>} : memref<128xi32, #tpu.memory_space<vmem>>, vector<16xi32>,
      %swap3A_233 = vector.shape_cast %swap3A_232 : vector<16xi32> to vector<16xi32>
      %swap3A_234 = vector.shape_cast %shift_right_logical3A_230 : vector<16xi32> to vector<16xi32>
      tpu.vector_store %arg8[%swap3A_231], %swap3A_234 {strides = array<i32>} : memref<128xi32, #tpu.memory_space<vmem>>, vector<16xi32>,
      %and3A_235 = arith.andi %get3A_229, %broadcast_in_dim3A_1 : vector<16xi32>
      %swap3A_236 = arith.constant 80 : index
      %swap3A_237 = tpu.vector_load %arg9[%swap3A_236] {strides = array<i32>} : memref<128xi32, #tpu.memory_space<vmem>>, vector<16xi32>,
      %swap3A_238 = vector.shape_cast %swap3A_237 : vector<16xi32> to vector<16xi32>
      %swap3A_239 = vector.shape_cast %and3A_235 : vector<16xi32> to vector<16xi32>
      tpu.vector_store %arg9[%swap3A_236], %swap3A_239 {strides = array<i32>} : memref<128xi32, #tpu.memory_space<vmem>>, vector<16xi32>,
      %get3A_240 = arith.index_cast %add3A_155 : i32 to index
      %get3A_241 = arith.constant 96 : index
      %get3A_242 = tpu.vector_load %arg5[%get3A_240, %get3A_241] {strides = array<i32>} : memref<79x128xi32, #tpu.memory_space<vmem>>, vector<1x16xi32>,
      %get3A_243 = vector.shape_cast %get3A_242 : vector<1x16xi32> to vector<16xi32>
      %shift_right_logical3A_244 = arith.shrui %get3A_243, %broadcast_in_dim3A_3 : vector<16xi32>
      %swap3A_245 = arith.constant 96 : index
      %swap3A_246 = tpu.vector_load %arg8[%swap3A_245] {strides = array<i32>} : memref<128xi32, #tpu.memory_space<vmem>>, vector<16xi32>,
      %swap3A_247 = vector.shape_cast %swap3A_246 : vector<16xi32> to vector<16xi32>
      %swap3A_248 = vector.shape_cast %shift_right_logical3A_244 : vector<16xi32> to vector<16xi32>
      tpu.vector_store %arg8[%swap3A_245], %swap3A_248 {strides = array<i32>} : memref<128xi32, #tpu.memory_space<vmem>>, vector<16xi32>,
      %and3A_249 = arith.andi %get3A_243, %broadcast_in_dim3A_1 : vector<16xi32>
      %swap3A_250 = arith.constant 96 : index
      %swap3A_251 = tpu.vector_load %arg9[%swap3A_250] {strides = array<i32>} : memref<128xi32, #tpu.memory_space<vmem>>, vector<16xi32>,
      %swap3A_252 = vector.shape_cast %swap3A_251 : vector<16xi32> to vector<16xi32>
      %swap3A_253 = vector.shape_cast %and3A_249 : vector<16xi32> to vector<16xi32>
      tpu.vector_store %arg9[%swap3A_250], %swap3A_253 {strides = array<i32>} : memref<128xi32, #tpu.memory_space<vmem>>, vector<16xi32>,
      %get3A_254 = arith.index_cast %add3A_155 : i32 to index
      %get3A_255 = arith.constant 112 : index
      %get3A_256 = tpu.vector_load %arg5[%get3A_254, %get3A_255] {strides = array<i32>} : memref<79x128xi32, #tpu.memory_space<vmem>>, vector<1x16xi32>,
      %get3A_257 = vector.shape_cast %get3A_256 : vector<1x16xi32> to vector<16xi32>
      %shift_right_logical3A_258 = arith.shrui %get3A_257, %broadcast_in_dim3A_3 : vector<16xi32>
      %swap3A_259 = arith.constant 112 : index
      %swap3A_260 = tpu.vector_load %arg8[%swap3A_259] {strides = array<i32>} : memref<128xi32, #tpu.memory_space<vmem>>, vector<16xi32>,
      %swap3A_261 = vector.shape_cast %swap3A_260 : vector<16xi32> to vector<16xi32>
      %swap3A_262 = vector.shape_cast %shift_right_logical3A_258 : vector<16xi32> to vector<16xi32>
      tpu.vector_store %arg8[%swap3A_259], %swap3A_262 {strides = array<i32>} : memref<128xi32, #tpu.memory_space<vmem>>, vector<16xi32>,
      %and3A_263 = arith.andi %get3A_257, %broadcast_in_dim3A_1 : vector<16xi32>
      %swap3A_264 = arith.constant 112 : index
      %swap3A_265 = tpu.vector_load %arg9[%swap3A_264] {strides = array<i32>} : memref<128xi32, #tpu.memory_space<vmem>>, vector<16xi32>,
      %swap3A_266 = vector.shape_cast %swap3A_265 : vector<16xi32> to vector<16xi32>
      %swap3A_267 = vector.shape_cast %and3A_263 : vector<16xi32> to vector<16xi32>
      tpu.vector_store %arg9[%swap3A_264], %swap3A_267 {strides = array<i32>} : memref<128xi32, #tpu.memory_space<vmem>>, vector<16xi32>,
      %dma_start3A_268 = arith.constant 0 : i32
      %dma_start3A_269 = arith.constant 0 : i32
      %dma_start3A_270 = tpu.memref_slice %arg2[%dma_start3A_268, %dma_start3A_269] : memref<210000x128xf32, #tpu.memory_space<hbm>> -> memref<210000x128xf32, #tpu.memory_space<hbm>>
      tpu.enqueue_indirect_dma source(%dma_start3A_270 : memref<210000x128xf32, #tpu.memory_space<hbm>>) target(%arg11 : memref<128x128xf32, #tpu.memory_space<vmem>>) offsets(%arg8 : memref<128xi32, #tpu.memory_space<vmem>>) semaphore(%arg14 : memref<!tpu.dma_semaphore, #tpu.memory_space<semaphore_mem>>)
      %dma_wait3A_271 = arith.constant 0 : i32
      %dma_wait3A_272 = arith.constant 0 : i32
      %dma_wait3A_273 = tpu.memref_slice %arg2[%dma_wait3A_271, %dma_wait3A_272] : memref<210000x128xf32, #tpu.memory_space<hbm>> -> memref<210000x128xf32, #tpu.memory_space<hbm>>
      tpu.wait_indirect_dma semaphore(%arg13 : memref<!tpu.dma_semaphore, #tpu.memory_space<semaphore_mem>>) src(%dma_wait3A_273 : memref<210000x128xf32, #tpu.memory_space<hbm>>) dst(%arg10 : memref<128x128xf32, #tpu.memory_space<vmem>>)
      "tpu.region"() ({
        %run_scoped3A = tpu.sem_alloc : memref<!tpu.dma_semaphore, #tpu.memory_space<semaphore_mem>>
        %dma_start3A_394 = arith.constant 0 : i32
        %dma_start3A_395 = arith.constant 0 : i32
        %dma_start3A_396 = tpu.memref_slice %arg12[%dma_start3A_394, %dma_start3A_395] : memref<10112x128xf32, #tpu.memory_space<vmem_shared>> -> memref<10112x128xf32, #tpu.memory_space<vmem_shared>>
        tpu.enqueue_indirect_dma source(%arg10 : memref<128x128xf32, #tpu.memory_space<vmem>>) target(%dma_start3A_396 : memref<10112x128xf32, #tpu.memory_space<vmem_shared>>) offsets(%arg7 : memref<128xi32, #tpu.memory_space<vmem>>) semaphore(%run_scoped3A : memref<!tpu.dma_semaphore, #tpu.memory_space<semaphore_mem>>) {add = true}
        %dma_wait3A_397 = arith.constant 0 : i32
        %dma_wait3A_398 = arith.constant 0 : i32
        %dma_wait3A_399 = tpu.memref_slice %arg12[%dma_wait3A_397, %dma_wait3A_398] : memref<10112x128xf32, #tpu.memory_space<vmem_shared>> -> memref<10112x128xf32, #tpu.memory_space<vmem_shared>>
        tpu.wait_indirect_dma semaphore(%run_scoped3A : memref<!tpu.dma_semaphore, #tpu.memory_space<semaphore_mem>>) src(%arg10 : memref<128x128xf32, #tpu.memory_space<vmem>>) dst(%dma_wait3A_399 : memref<10112x128xf32, #tpu.memory_space<vmem_shared>>)
        tpu.yield
      }) : () -> ()
      %add3A_274 = arith.constant 2 : i32
      %add3A_275 = arith.addi %mul3A_153, %add3A_274 : i32
      %get3A_276 = arith.index_cast %add3A_275 : i32 to index
      %get3A_277 = arith.constant 0 : index
      %get3A_278 = tpu.vector_load %arg5[%get3A_276, %get3A_277] {strides = array<i32>} : memref<79x128xi32, #tpu.memory_space<vmem>>, vector<1x16xi32>,
      %get3A_279 = vector.shape_cast %get3A_278 : vector<1x16xi32> to vector<16xi32>
      %shift_right_logical3A_280 = arith.shrui %get3A_279, %broadcast_in_dim3A_3 : vector<16xi32>
      %swap3A_281 = arith.constant 0 : index
      %swap3A_282 = tpu.vector_load %arg6[%swap3A_281] {strides = array<i32>} : memref<128xi32, #tpu.memory_space<vmem>>, vector<16xi32>,
      %swap3A_283 = vector.shape_cast %swap3A_282 : vector<16xi32> to vector<16xi32>
      %swap3A_284 = vector.shape_cast %shift_right_logical3A_280 : vector<16xi32> to vector<16xi32>
      tpu.vector_store %arg6[%swap3A_281], %swap3A_284 {strides = array<i32>} : memref<128xi32, #tpu.memory_space<vmem>>, vector<16xi32>,
      %and3A_285 = arith.andi %get3A_279, %broadcast_in_dim3A_1 : vector<16xi32>
      %swap3A_286 = arith.constant 0 : index
      %swap3A_287 = tpu.vector_load %arg7[%swap3A_286] {strides = array<i32>} : memref<128xi32, #tpu.memory_space<vmem>>, vector<16xi32>,
      %swap3A_288 = vector.shape_cast %swap3A_287 : vector<16xi32> to vector<16xi32>
      %swap3A_289 = vector.shape_cast %and3A_285 : vector<16xi32> to vector<16xi32>
      tpu.vector_store %arg7[%swap3A_286], %swap3A_289 {strides = array<i32>} : memref<128xi32, #tpu.memory_space<vmem>>, vector<16xi32>,
      %get3A_290 = arith.index_cast %add3A_275 : i32 to index
      %get3A_291 = arith.constant 16 : index
      %get3A_292 = tpu.vector_load %arg5[%get3A_290, %get3A_291] {strides = array<i32>} : memref<79x128xi32, #tpu.memory_space<vmem>>, vector<1x16xi32>,
      %get3A_293 = vector.shape_cast %get3A_292 : vector<1x16xi32> to vector<16xi32>
      %shift_right_logical3A_294 = arith.shrui %get3A_293, %broadcast_in_dim3A_3 : vector<16xi32>
      %swap3A_295 = arith.constant 16 : index
      %swap3A_296 = tpu.vector_load %arg6[%swap3A_295] {strides = array<i32>} : memref<128xi32, #tpu.memory_space<vmem>>, vector<16xi32>,
      %swap3A_297 = vector.shape_cast %swap3A_296 : vector<16xi32> to vector<16xi32>
      %swap3A_298 = vector.shape_cast %shift_right_logical3A_294 : vector<16xi32> to vector<16xi32>
      tpu.vector_store %arg6[%swap3A_295], %swap3A_298 {strides = array<i32>} : memref<128xi32, #tpu.memory_space<vmem>>, vector<16xi32>,
      %and3A_299 = arith.andi %get3A_293, %broadcast_in_dim3A_1 : vector<16xi32>
      %swap3A_300 = arith.constant 16 : index
      %swap3A_301 = tpu.vector_load %arg7[%swap3A_300] {strides = array<i32>} : memref<128xi32, #tpu.memory_space<vmem>>, vector<16xi32>,
      %swap3A_302 = vector.shape_cast %swap3A_301 : vector<16xi32> to vector<16xi32>
      %swap3A_303 = vector.shape_cast %and3A_299 : vector<16xi32> to vector<16xi32>
      tpu.vector_store %arg7[%swap3A_300], %swap3A_303 {strides = array<i32>} : memref<128xi32, #tpu.memory_space<vmem>>, vector<16xi32>,
      %get3A_304 = arith.index_cast %add3A_275 : i32 to index
      %get3A_305 = arith.constant 32 : index
      %get3A_306 = tpu.vector_load %arg5[%get3A_304, %get3A_305] {strides = array<i32>} : memref<79x128xi32, #tpu.memory_space<vmem>>, vector<1x16xi32>,
      %get3A_307 = vector.shape_cast %get3A_306 : vector<1x16xi32> to vector<16xi32>
      %shift_right_logical3A_308 = arith.shrui %get3A_307, %broadcast_in_dim3A_3 : vector<16xi32>
      %swap3A_309 = arith.constant 32 : index
      %swap3A_310 = tpu.vector_load %arg6[%swap3A_309] {strides = array<i32>} : memref<128xi32, #tpu.memory_space<vmem>>, vector<16xi32>,
      %swap3A_311 = vector.shape_cast %swap3A_310 : vector<16xi32> to vector<16xi32>
      %swap3A_312 = vector.shape_cast %shift_right_logical3A_308 : vector<16xi32> to vector<16xi32>
      tpu.vector_store %arg6[%swap3A_309], %swap3A_312 {strides = array<i32>} : memref<128xi32, #tpu.memory_space<vmem>>, vector<16xi32>,
      %and3A_313 = arith.andi %get3A_307, %broadcast_in_dim3A_1 : vector<16xi32>
      %swap3A_314 = arith.constant 32 : index
      %swap3A_315 = tpu.vector_load %arg7[%swap3A_314] {strides = array<i32>} : memref<128xi32, #tpu.memory_space<vmem>>, vector<16xi32>,
      %swap3A_316 = vector.shape_cast %swap3A_315 : vector<16xi32> to vector<16xi32>
      %swap3A_317 = vector.shape_cast %and3A_313 : vector<16xi32> to vector<16xi32>
      tpu.vector_store %arg7[%swap3A_314], %swap3A_317 {strides = array<i32>} : memref<128xi32, #tpu.memory_space<vmem>>, vector<16xi32>,
      %get3A_318 = arith.index_cast %add3A_275 : i32 to index
      %get3A_319 = arith.constant 48 : index
      %get3A_320 = tpu.vector_load %arg5[%get3A_318, %get3A_319] {strides = array<i32>} : memref<79x128xi32, #tpu.memory_space<vmem>>, vector<1x16xi32>,
      %get3A_321 = vector.shape_cast %get3A_320 : vector<1x16xi32> to vector<16xi32>
      %shift_right_logical3A_322 = arith.shrui %get3A_321, %broadcast_in_dim3A_3 : vector<16xi32>
      %swap3A_323 = arith.constant 48 : index
      %swap3A_324 = tpu.vector_load %arg6[%swap3A_323] {strides = array<i32>} : memref<128xi32, #tpu.memory_space<vmem>>, vector<16xi32>,
      %swap3A_325 = vector.shape_cast %swap3A_324 : vector<16xi32> to vector<16xi32>
      %swap3A_326 = vector.shape_cast %shift_right_logical3A_322 : vector<16xi32> to vector<16xi32>
      tpu.vector_store %arg6[%swap3A_323], %swap3A_326 {strides = array<i32>} : memref<128xi32, #tpu.memory_space<vmem>>, vector<16xi32>,
      %and3A_327 = arith.andi %get3A_321, %broadcast_in_dim3A_1 : vector<16xi32>
      %swap3A_328 = arith.constant 48 : index
      %swap3A_329 = tpu.vector_load %arg7[%swap3A_328] {strides = array<i32>} : memref<128xi32, #tpu.memory_space<vmem>>, vector<16xi32>,
      %swap3A_330 = vector.shape_cast %swap3A_329 : vector<16xi32> to vector<16xi32>
      %swap3A_331 = vector.shape_cast %and3A_327 : vector<16xi32> to vector<16xi32>
      tpu.vector_store %arg7[%swap3A_328], %swap3A_331 {strides = array<i32>} : memref<128xi32, #tpu.memory_space<vmem>>, vector<16xi32>,
      %get3A_332 = arith.index_cast %add3A_275 : i32 to index
      %get3A_333 = arith.constant 64 : index
      %get3A_334 = tpu.vector_load %arg5[%get3A_332, %get3A_333] {strides = array<i32>} : memref<79x128xi32, #tpu.memory_space<vmem>>, vector<1x16xi32>,
      %get3A_335 = vector.shape_cast %get3A_334 : vector<1x16xi32> to vector<16xi32>
      %shift_right_logical3A_336 = arith.shrui %get3A_335, %broadcast_in_dim3A_3 : vector<16xi32>
      %swap3A_337 = arith.constant 64 : index
      %swap3A_338 = tpu.vector_load %arg6[%swap3A_337] {strides = array<i32>} : memref<128xi32, #tpu.memory_space<vmem>>, vector<16xi32>,
      %swap3A_339 = vector.shape_cast %swap3A_338 : vector<16xi32> to vector<16xi32>
      %swap3A_340 = vector.shape_cast %shift_right_logical3A_336 : vector<16xi32> to vector<16xi32>
      tpu.vector_store %arg6[%swap3A_337], %swap3A_340 {strides = array<i32>} : memref<128xi32, #tpu.memory_space<vmem>>, vector<16xi32>,
      %and3A_341 = arith.andi %get3A_335, %broadcast_in_dim3A_1 : vector<16xi32>
      %swap3A_342 = arith.constant 64 : index
      %swap3A_343 = tpu.vector_load %arg7[%swap3A_342] {strides = array<i32>} : memref<128xi32, #tpu.memory_space<vmem>>, vector<16xi32>,
      %swap3A_344 = vector.shape_cast %swap3A_343 : vector<16xi32> to vector<16xi32>
      %swap3A_345 = vector.shape_cast %and3A_341 : vector<16xi32> to vector<16xi32>
      tpu.vector_store %arg7[%swap3A_342], %swap3A_345 {strides = array<i32>} : memref<128xi32, #tpu.memory_space<vmem>>, vector<16xi32>,
      %get3A_346 = arith.index_cast %add3A_275 : i32 to index
      %get3A_347 = arith.constant 80 : index
      %get3A_348 = tpu.vector_load %arg5[%get3A_346, %get3A_347] {strides = array<i32>} : memref<79x128xi32, #tpu.memory_space<vmem>>, vector<1x16xi32>,
      %get3A_349 = vector.shape_cast %get3A_348 : vector<1x16xi32> to vector<16xi32>
      %shift_right_logical3A_350 = arith.shrui %get3A_349, %broadcast_in_dim3A_3 : vector<16xi32>
      %swap3A_351 = arith.constant 80 : index
      %swap3A_352 = tpu.vector_load %arg6[%swap3A_351] {strides = array<i32>} : memref<128xi32, #tpu.memory_space<vmem>>, vector<16xi32>,
      %swap3A_353 = vector.shape_cast %swap3A_352 : vector<16xi32> to vector<16xi32>
      %swap3A_354 = vector.shape_cast %shift_right_logical3A_350 : vector<16xi32> to vector<16xi32>
      tpu.vector_store %arg6[%swap3A_351], %swap3A_354 {strides = array<i32>} : memref<128xi32, #tpu.memory_space<vmem>>, vector<16xi32>,
      %and3A_355 = arith.andi %get3A_349, %broadcast_in_dim3A_1 : vector<16xi32>
      %swap3A_356 = arith.constant 80 : index
      %swap3A_357 = tpu.vector_load %arg7[%swap3A_356] {strides = array<i32>} : memref<128xi32, #tpu.memory_space<vmem>>, vector<16xi32>,
      %swap3A_358 = vector.shape_cast %swap3A_357 : vector<16xi32> to vector<16xi32>
      %swap3A_359 = vector.shape_cast %and3A_355 : vector<16xi32> to vector<16xi32>
      tpu.vector_store %arg7[%swap3A_356], %swap3A_359 {strides = array<i32>} : memref<128xi32, #tpu.memory_space<vmem>>, vector<16xi32>,
      %get3A_360 = arith.index_cast %add3A_275 : i32 to index
      %get3A_361 = arith.constant 96 : index
      %get3A_362 = tpu.vector_load %arg5[%get3A_360, %get3A_361] {strides = array<i32>} : memref<79x128xi32, #tpu.memory_space<vmem>>, vector<1x16xi32>,
      %get3A_363 = vector.shape_cast %get3A_362 : vector<1x16xi32> to vector<16xi32>
      %shift_right_logical3A_364 = arith.shrui %get3A_363, %broadcast_in_dim3A_3 : vector<16xi32>
      %swap3A_365 = arith.constant 96 : index
      %swap3A_366 = tpu.vector_load %arg6[%swap3A_365] {strides = array<i32>} : memref<128xi32, #tpu.memory_space<vmem>>, vector<16xi32>,
      %swap3A_367 = vector.shape_cast %swap3A_366 : vector<16xi32> to vector<16xi32>
      %swap3A_368 = vector.shape_cast %shift_right_logical3A_364 : vector<16xi32> to vector<16xi32>
      tpu.vector_store %arg6[%swap3A_365], %swap3A_368 {strides = array<i32>} : memref<128xi32, #tpu.memory_space<vmem>>, vector<16xi32>,
      %and3A_369 = arith.andi %get3A_363, %broadcast_in_dim3A_1 : vector<16xi32>
      %swap3A_370 = arith.constant 96 : index
      %swap3A_371 = tpu.vector_load %arg7[%swap3A_370] {strides = array<i32>} : memref<128xi32, #tpu.memory_space<vmem>>, vector<16xi32>,
      %swap3A_372 = vector.shape_cast %swap3A_371 : vector<16xi32> to vector<16xi32>
      %swap3A_373 = vector.shape_cast %and3A_369 : vector<16xi32> to vector<16xi32>
      tpu.vector_store %arg7[%swap3A_370], %swap3A_373 {strides = array<i32>} : memref<128xi32, #tpu.memory_space<vmem>>, vector<16xi32>,
      %get3A_374 = arith.index_cast %add3A_275 : i32 to index
      %get3A_375 = arith.constant 112 : index
      %get3A_376 = tpu.vector_load %arg5[%get3A_374, %get3A_375] {strides = array<i32>} : memref<79x128xi32, #tpu.memory_space<vmem>>, vector<1x16xi32>,
      %get3A_377 = vector.shape_cast %get3A_376 : vector<1x16xi32> to vector<16xi32>
      %shift_right_logical3A_378 = arith.shrui %get3A_377, %broadcast_in_dim3A_3 : vector<16xi32>
      %swap3A_379 = arith.constant 112 : index
      %swap3A_380 = tpu.vector_load %arg6[%swap3A_379] {strides = array<i32>} : memref<128xi32, #tpu.memory_space<vmem>>, vector<16xi32>,
      %swap3A_381 = vector.shape_cast %swap3A_380 : vector<16xi32> to vector<16xi32>
      %swap3A_382 = vector.shape_cast %shift_right_logical3A_378 : vector<16xi32> to vector<16xi32>
      tpu.vector_store %arg6[%swap3A_379], %swap3A_382 {strides = array<i32>} : memref<128xi32, #tpu.memory_space<vmem>>, vector<16xi32>,
      %and3A_383 = arith.andi %get3A_377, %broadcast_in_dim3A_1 : vector<16xi32>
      %swap3A_384 = arith.constant 112 : index
      %swap3A_385 = tpu.vector_load %arg7[%swap3A_384] {strides = array<i32>} : memref<128xi32, #tpu.memory_space<vmem>>, vector<16xi32>,
      %swap3A_386 = vector.shape_cast %swap3A_385 : vector<16xi32> to vector<16xi32>
      %swap3A_387 = vector.shape_cast %and3A_383 : vector<16xi32> to vector<16xi32>
      tpu.vector_store %arg7[%swap3A_384], %swap3A_387 {strides = array<i32>} : memref<128xi32, #tpu.memory_space<vmem>>, vector<16xi32>,
      %dma_start3A_388 = arith.constant 0 : i32
      %dma_start3A_389 = arith.constant 0 : i32
      %dma_start3A_390 = tpu.memref_slice %arg2[%dma_start3A_388, %dma_start3A_389] : memref<210000x128xf32, #tpu.memory_space<hbm>> -> memref<210000x128xf32, #tpu.memory_space<hbm>>
      tpu.enqueue_indirect_dma source(%dma_start3A_390 : memref<210000x128xf32, #tpu.memory_space<hbm>>) target(%arg10 : memref<128x128xf32, #tpu.memory_space<vmem>>) offsets(%arg6 : memref<128xi32, #tpu.memory_space<vmem>>) semaphore(%arg13 : memref<!tpu.dma_semaphore, #tpu.memory_space<semaphore_mem>>)
      %dma_wait3A_391 = arith.constant 0 : i32
      %dma_wait3A_392 = arith.constant 0 : i32
      %dma_wait3A_393 = tpu.memref_slice %arg2[%dma_wait3A_391, %dma_wait3A_392] : memref<210000x128xf32, #tpu.memory_space<hbm>> -> memref<210000x128xf32, #tpu.memory_space<hbm>>
      tpu.wait_indirect_dma semaphore(%arg14 : memref<!tpu.dma_semaphore, #tpu.memory_space<semaphore_mem>>) src(%dma_wait3A_393 : memref<210000x128xf32, #tpu.memory_space<hbm>>) dst(%arg11 : memref<128x128xf32, #tpu.memory_space<vmem>>)
      "tpu.region"() ({
        %run_scoped3A = tpu.sem_alloc : memref<!tpu.dma_semaphore, #tpu.memory_space<semaphore_mem>>
        %dma_start3A_394 = arith.constant 0 : i32
        %dma_start3A_395 = arith.constant 0 : i32
        %dma_start3A_396 = tpu.memref_slice %arg12[%dma_start3A_394, %dma_start3A_395] : memref<10112x128xf32, #tpu.memory_space<vmem_shared>> -> memref<10112x128xf32, #tpu.memory_space<vmem_shared>>
        tpu.enqueue_indirect_dma source(%arg11 : memref<128x128xf32, #tpu.memory_space<vmem>>) target(%dma_start3A_396 : memref<10112x128xf32, #tpu.memory_space<vmem_shared>>) offsets(%arg9 : memref<128xi32, #tpu.memory_space<vmem>>) semaphore(%run_scoped3A : memref<!tpu.dma_semaphore, #tpu.memory_space<semaphore_mem>>) {add = true}
        %dma_wait3A_397 = arith.constant 0 : i32
        %dma_wait3A_398 = arith.constant 0 : i32
        %dma_wait3A_399 = tpu.memref_slice %arg12[%dma_wait3A_397, %dma_wait3A_398] : memref<10112x128xf32, #tpu.memory_space<vmem_shared>> -> memref<10112x128xf32, #tpu.memory_space<vmem_shared>>
        tpu.wait_indirect_dma semaphore(%run_scoped3A : memref<!tpu.dma_semaphore, #tpu.memory_space<semaphore_mem>>) src(%arg11 : memref<128x128xf32, #tpu.memory_space<vmem>>) dst(%dma_wait3A_399 : memref<10112x128xf32, #tpu.memory_space<vmem_shared>>)
        tpu.yield
      }) : () -> ()
    }
    %scan3A_144 = arith.constant 39 : i32
    %dma_wait3A = arith.constant 0 : i32
    %dma_wait3A_145 = arith.constant 0 : i32
    %dma_wait3A_146 = tpu.memref_slice %arg2[%dma_wait3A, %dma_wait3A_145] : memref<210000x128xf32, #tpu.memory_space<hbm>> -> memref<210000x128xf32, #tpu.memory_space<hbm>>
    tpu.wait_indirect_dma semaphore(%arg13 : memref<!tpu.dma_semaphore, #tpu.memory_space<semaphore_mem>>) src(%dma_wait3A_146 : memref<210000x128xf32, #tpu.memory_space<hbm>>) dst(%arg10 : memref<128x128xf32, #tpu.memory_space<vmem>>)
    "tpu.region"() ({
      %run_scoped3A = tpu.sem_alloc : memref<!tpu.dma_semaphore, #tpu.memory_space<semaphore_mem>>
      %dma_start3A_151 = arith.constant 0 : i32
      %dma_start3A_152 = arith.constant 0 : i32
      %dma_start3A_153 = tpu.memref_slice %arg12[%dma_start3A_151, %dma_start3A_152] : memref<10112x128xf32, #tpu.memory_space<vmem_shared>> -> memref<10112x128xf32, #tpu.memory_space<vmem_shared>>
      tpu.enqueue_indirect_dma source(%arg10 : memref<128x128xf32, #tpu.memory_space<vmem>>) target(%dma_start3A_153 : memref<10112x128xf32, #tpu.memory_space<vmem_shared>>) offsets(%arg7 : memref<128xi32, #tpu.memory_space<vmem>>) semaphore(%run_scoped3A : memref<!tpu.dma_semaphore, #tpu.memory_space<semaphore_mem>>) {add = true}
      %dma_wait3A_154 = arith.constant 0 : i32
      %dma_wait3A_155 = arith.constant 0 : i32
      %dma_wait3A_156 = tpu.memref_slice %arg12[%dma_wait3A_154, %dma_wait3A_155] : memref<10112x128xf32, #tpu.memory_space<vmem_shared>> -> memref<10112x128xf32, #tpu.memory_space<vmem_shared>>
      tpu.wait_indirect_dma semaphore(%run_scoped3A : memref<!tpu.dma_semaphore, #tpu.memory_space<semaphore_mem>>) src(%arg10 : memref<128x128xf32, #tpu.memory_space<vmem>>) dst(%dma_wait3A_156 : memref<10112x128xf32, #tpu.memory_space<vmem_shared>>)
      tpu.yield
    }) : () -> ()
    %barrier3A_147 = arith.constant 0 : index
    tpu.barrier barrier_id(%barrier3A_147)
    %mul3A_148 = arith.constant 10112 : i32
    %mul3A_149 = arith.muli %arg0, %mul3A_148 : i32
    %add3A_150 = arith.addi %mul3A_149, %mul3A_10 : i32
    "tpu.region"() ({
      %run_scoped3A = tpu.sem_alloc : memref<!tpu.dma_semaphore, #tpu.memory_space<semaphore_mem>>
      %dma_start3A_151 = arith.constant 0 : i32
      %dma_start3A_152 = tpu.memref_slice %arg4[%add3A_150, %dma_start3A_151] : memref<20224x128xf32, #tpu.memory_space<hbm>> -> memref<632x128xf32, #tpu.memory_space<hbm>>
      %dma_start3A_153 = arith.constant 0 : i32
      %dma_start3A_154 = tpu.memref_slice %arg12[%mul3A_10, %dma_start3A_153] : memref<10112x128xf32, #tpu.memory_space<vmem_shared>> -> memref<632x128xf32, #tpu.memory_space<vmem_shared>>
      tpu.enqueue_dma source(%dma_start3A_154 : memref<632x128xf32, #tpu.memory_space<vmem_shared>>) target(%dma_start3A_152 : memref<632x128xf32, #tpu.memory_space<hbm>>) target_semaphore(%run_scoped3A : memref<!tpu.dma_semaphore, #tpu.memory_space<semaphore_mem>>)
      %dma_wait3A_155 = arith.constant 0 : i32
      %dma_wait3A_156 = tpu.memref_slice %arg4[%add3A_150, %dma_wait3A_155] : memref<20224x128xf32, #tpu.memory_space<hbm>> -> memref<632x128xf32, #tpu.memory_space<hbm>>
      %dma_wait3A_157 = arith.constant 0 : i32
      %dma_wait3A_158 = tpu.memref_slice %arg12[%mul3A_10, %dma_wait3A_157] : memref<10112x128xf32, #tpu.memory_space<vmem_shared>> -> memref<632x128xf32, #tpu.memory_space<vmem_shared>>
      tpu.wait_dma2 semaphore(%run_scoped3A : memref<!tpu.dma_semaphore, #tpu.memory_space<semaphore_mem>>) src(%dma_wait3A_158 : memref<632x128xf32, #tpu.memory_space<vmem_shared>>) dst(%dma_wait3A_156 : memref<632x128xf32, #tpu.memory_space<hbm>>)
      tpu.yield
    }) : () -> ()
    return
  }
}

module attributes {stable_mosaic.version = 14 : i64} {
  func.func @_mm_body(%arg0: i32, %arg1: memref<1000x128xf32, #tpu.memory_space<vmem>>, %arg2: memref<20x128x128xf32, #tpu.memory_space<vmem>>, %arg3: memref<128x128xf32, #tpu.memory_space<vmem>>, %arg4: memref<32x10000xi32, #tpu.memory_space<vmem>>, %arg5: memref<32x10000xi32, #tpu.memory_space<vmem>>, %arg6: memref<32x10000xi32, #tpu.memory_space<vmem>>, %arg7: memref<21x1000x128xf32, #tpu.memory_space<vmem>>, %arg8: memref<32x10112xi32, #tpu.memory_space<vmem>>) attributes {dimension_semantics = [#tpu.dimension_semantics<arbitrary>], iteration_bounds = array<i64: 10>, scalar_prefetch = 0 : i64, scratch_operands = 0 : i64, tpu.core_type = #tpu.core_type<tc>, window_params = [{transform_indices = @transform_0, window_bounds = array<i64: 1000, 128>}, {pipeline_mode = #tpu.pipeline_mode<synchronous>, transform_indices = @transform_1, window_bounds = array<i64: 20, 128, 128>}, {pipeline_mode = #tpu.pipeline_mode<synchronous>, transform_indices = @transform_2, window_bounds = array<i64: 128, 128>}, {pipeline_mode = #tpu.pipeline_mode<synchronous>, transform_indices = @transform_3, window_bounds = array<i64: 32, 10000>}, {pipeline_mode = #tpu.pipeline_mode<synchronous>, transform_indices = @transform_4, window_bounds = array<i64: 32, 10000>}, {pipeline_mode = #tpu.pipeline_mode<synchronous>, transform_indices = @transform_5, window_bounds = array<i64: 32, 10000>}, {transform_indices = @transform_6, window_bounds = array<i64: 21, 1000, 128>}, {pipeline_mode = #tpu.pipeline_mode<synchronous>, transform_indices = @transform_7, window_bounds = array<i64: 32, 10112>}]} {
    %eq3A = arith.constant 0 : i32
    %eq3A_0 = arith.cmpi eq, %arg0, %eq3A : i32
    %convert_element_type3A = arith.extui %eq3A_0 : i1 to i32
    %cond3A = arith.constant 0 : i32
    %cond3A_1 = arith.cmpi ne, %convert_element_type3A, %cond3A : i32
    scf.if %cond3A_1 {
      %get3A_333 = arith.constant 0 : index
      %get3A_334 = arith.constant 0 : index
      %get3A_335 = vector.load %arg6[%get3A_333, %get3A_334] : memref<32x10000xi32, #tpu.memory_space<vmem>>, vector<32x10000xi32>
      %mul3A = arith.constant 10000 : i32
      %mul3A_336 = vector.broadcast %mul3A : i32 to vector<32x10000xi32>
      %mul3A_337 = arith.muli %get3A_335, %mul3A_336 : vector<32x10000xi32>
      %get3A_338 = arith.constant 0 : index
      %get3A_339 = arith.constant 0 : index
      %get3A_340 = vector.load %arg4[%get3A_338, %get3A_339] : memref<32x10000xi32, #tpu.memory_space<vmem>>, vector<32x10000xi32>
      %add3A = arith.addi %mul3A_337, %get3A_340 : vector<32x10000xi32>
      %shift_left3A = arith.constant 14 : i32
      %shift_left3A_341 = vector.broadcast %shift_left3A : i32 to vector<32x10000xi32>
      %shift_left3A_342 = arith.shli %add3A, %shift_left3A_341 : vector<32x10000xi32>
      %get3A_343 = arith.constant 0 : index
      %get3A_344 = arith.constant 0 : index
      %get3A_345 = vector.load %arg5[%get3A_343, %get3A_344] : memref<32x10000xi32, #tpu.memory_space<vmem>>, vector<32x10000xi32>
      %or3A = arith.ori %shift_left3A_342, %get3A_345 : vector<32x10000xi32>
      %swap3A_346 = arith.constant 0 : index
      %swap3A_347 = arith.constant 0 : index
      %swap3A_348 = vector.load %arg8[%swap3A_346, %swap3A_347] : memref<32x10112xi32, #tpu.memory_space<vmem>>, vector<32x10000xi32>
      tpu.vector_store %arg8[%swap3A_346, %swap3A_347], %or3A {strides = array<i32>} : memref<32x10112xi32, #tpu.memory_space<vmem>>, vector<32x10000xi32>,
      %broadcast_in_dim3A = arith.constant 10000 : i32
      %broadcast_in_dim3A_349 = vector.broadcast %broadcast_in_dim3A : i32 to vector<32x112xi32>
      %swap3A_350 = arith.constant 0 : index
      %swap3A_351 = arith.constant 10000 : index
      %swap3A_352 = vector.load %arg8[%swap3A_350, %swap3A_351] : memref<32x10112xi32, #tpu.memory_space<vmem>>, vector<32x112xi32>
      tpu.vector_store %arg8[%swap3A_350, %swap3A_351], %broadcast_in_dim3A_349 {strides = array<i32>} : memref<32x10112xi32, #tpu.memory_space<vmem>>, vector<32x112xi32>,
    } else {
    }
    %get3A = arith.constant 0 : index
    %get3A_2 = arith.constant 0 : index
    %get3A_3 = vector.load %arg1[%get3A, %get3A_2] : memref<1000x128xf32, #tpu.memory_space<vmem>>, vector<1000x128xf32>
    %get3A_4 = arith.constant 0 : index
    %get3A_5 = arith.constant 0 : index
    %get3A_6 = arith.constant 0 : index
    %get3A_7 = vector.load %arg2[%get3A_4, %get3A_5, %get3A_6] : memref<20x128x128xf32, #tpu.memory_space<vmem>>, vector<1x128x128xf32>
    %get3A_8 = vector.shape_cast %get3A_7 : vector<1x128x128xf32> to vector<128x128xf32>
    %dot_general3A = arith.constant dense<0.000000e+00> : vector<1000x128xf32>
    %dot_general3A_9 = tpu.matmul %get3A_3, %get3A_8, %dot_general3A {dimension_numbers = #tpu.dot_dimension_numbers<[1], [0], [0], [1], [0, 0, 1, 1], [], []>, transpose_lhs_hint = false} : vector<1000x128xf32>, vector<128x128xf32>, vector<1000x128xf32> -> vector<1000x128xf32>
    %swap3A = arith.constant 0 : index
    %swap3A_10 = arith.constant 0 : index
    %swap3A_11 = arith.constant 0 : index
    %swap3A_12 = vector.load %arg7[%swap3A, %swap3A_10, %swap3A_11] : memref<21x1000x128xf32, #tpu.memory_space<vmem>>, vector<1x1000x128xf32>
    %swap3A_13 = vector.shape_cast %swap3A_12 : vector<1x1000x128xf32> to vector<1000x128xf32>
    %swap3A_14 = vector.shape_cast %dot_general3A_9 : vector<1000x128xf32> to vector<1x1000x128xf32>
    tpu.vector_store %arg7[%swap3A, %swap3A_10, %swap3A_11], %swap3A_14 {strides = array<i32>} : memref<21x1000x128xf32, #tpu.memory_space<vmem>>, vector<1x1000x128xf32>,
    %get3A_15 = arith.constant 0 : index
    %get3A_16 = arith.constant 0 : index
    %get3A_17 = vector.load %arg1[%get3A_15, %get3A_16] : memref<1000x128xf32, #tpu.memory_space<vmem>>, vector<1000x128xf32>
    %get3A_18 = arith.constant 1 : index
    %get3A_19 = arith.constant 0 : index
    %get3A_20 = arith.constant 0 : index
    %get3A_21 = vector.load %arg2[%get3A_18, %get3A_19, %get3A_20] : memref<20x128x128xf32, #tpu.memory_space<vmem>>, vector<1x128x128xf32>
    %get3A_22 = vector.shape_cast %get3A_21 : vector<1x128x128xf32> to vector<128x128xf32>
    %dot_general3A_23 = arith.constant dense<0.000000e+00> : vector<1000x128xf32>
    %dot_general3A_24 = tpu.matmul %get3A_17, %get3A_22, %dot_general3A_23 {dimension_numbers = #tpu.dot_dimension_numbers<[1], [0], [0], [1], [0, 0, 1, 1], [], []>, transpose_lhs_hint = false} : vector<1000x128xf32>, vector<128x128xf32>, vector<1000x128xf32> -> vector<1000x128xf32>
    %swap3A_25 = arith.constant 1 : index
    %swap3A_26 = arith.constant 0 : index
    %swap3A_27 = arith.constant 0 : index
    %swap3A_28 = vector.load %arg7[%swap3A_25, %swap3A_26, %swap3A_27] : memref<21x1000x128xf32, #tpu.memory_space<vmem>>, vector<1x1000x128xf32>
    %swap3A_29 = vector.shape_cast %swap3A_28 : vector<1x1000x128xf32> to vector<1000x128xf32>
    %swap3A_30 = vector.shape_cast %dot_general3A_24 : vector<1000x128xf32> to vector<1x1000x128xf32>
    tpu.vector_store %arg7[%swap3A_25, %swap3A_26, %swap3A_27], %swap3A_30 {strides = array<i32>} : memref<21x1000x128xf32, #tpu.memory_space<vmem>>, vector<1x1000x128xf32>,
    %get3A_31 = arith.constant 0 : index
    %get3A_32 = arith.constant 0 : index
    %get3A_33 = vector.load %arg1[%get3A_31, %get3A_32] : memref<1000x128xf32, #tpu.memory_space<vmem>>, vector<1000x128xf32>
    %get3A_34 = arith.constant 2 : index
    %get3A_35 = arith.constant 0 : index
    %get3A_36 = arith.constant 0 : index
    %get3A_37 = vector.load %arg2[%get3A_34, %get3A_35, %get3A_36] : memref<20x128x128xf32, #tpu.memory_space<vmem>>, vector<1x128x128xf32>
    %get3A_38 = vector.shape_cast %get3A_37 : vector<1x128x128xf32> to vector<128x128xf32>
    %dot_general3A_39 = arith.constant dense<0.000000e+00> : vector<1000x128xf32>
    %dot_general3A_40 = tpu.matmul %get3A_33, %get3A_38, %dot_general3A_39 {dimension_numbers = #tpu.dot_dimension_numbers<[1], [0], [0], [1], [0, 0, 1, 1], [], []>, transpose_lhs_hint = false} : vector<1000x128xf32>, vector<128x128xf32>, vector<1000x128xf32> -> vector<1000x128xf32>
    %swap3A_41 = arith.constant 2 : index
    %swap3A_42 = arith.constant 0 : index
    %swap3A_43 = arith.constant 0 : index
    %swap3A_44 = vector.load %arg7[%swap3A_41, %swap3A_42, %swap3A_43] : memref<21x1000x128xf32, #tpu.memory_space<vmem>>, vector<1x1000x128xf32>
    %swap3A_45 = vector.shape_cast %swap3A_44 : vector<1x1000x128xf32> to vector<1000x128xf32>
    %swap3A_46 = vector.shape_cast %dot_general3A_40 : vector<1000x128xf32> to vector<1x1000x128xf32>
    tpu.vector_store %arg7[%swap3A_41, %swap3A_42, %swap3A_43], %swap3A_46 {strides = array<i32>} : memref<21x1000x128xf32, #tpu.memory_space<vmem>>, vector<1x1000x128xf32>,
    %get3A_47 = arith.constant 0 : index
    %get3A_48 = arith.constant 0 : index
    %get3A_49 = vector.load %arg1[%get3A_47, %get3A_48] : memref<1000x128xf32, #tpu.memory_space<vmem>>, vector<1000x128xf32>
    %get3A_50 = arith.constant 3 : index
    %get3A_51 = arith.constant 0 : index
    %get3A_52 = arith.constant 0 : index
    %get3A_53 = vector.load %arg2[%get3A_50, %get3A_51, %get3A_52] : memref<20x128x128xf32, #tpu.memory_space<vmem>>, vector<1x128x128xf32>
    %get3A_54 = vector.shape_cast %get3A_53 : vector<1x128x128xf32> to vector<128x128xf32>
    %dot_general3A_55 = arith.constant dense<0.000000e+00> : vector<1000x128xf32>
    %dot_general3A_56 = tpu.matmul %get3A_49, %get3A_54, %dot_general3A_55 {dimension_numbers = #tpu.dot_dimension_numbers<[1], [0], [0], [1], [0, 0, 1, 1], [], []>, transpose_lhs_hint = false} : vector<1000x128xf32>, vector<128x128xf32>, vector<1000x128xf32> -> vector<1000x128xf32>
    %swap3A_57 = arith.constant 3 : index
    %swap3A_58 = arith.constant 0 : index
    %swap3A_59 = arith.constant 0 : index
    %swap3A_60 = vector.load %arg7[%swap3A_57, %swap3A_58, %swap3A_59] : memref<21x1000x128xf32, #tpu.memory_space<vmem>>, vector<1x1000x128xf32>
    %swap3A_61 = vector.shape_cast %swap3A_60 : vector<1x1000x128xf32> to vector<1000x128xf32>
    %swap3A_62 = vector.shape_cast %dot_general3A_56 : vector<1000x128xf32> to vector<1x1000x128xf32>
    tpu.vector_store %arg7[%swap3A_57, %swap3A_58, %swap3A_59], %swap3A_62 {strides = array<i32>} : memref<21x1000x128xf32, #tpu.memory_space<vmem>>, vector<1x1000x128xf32>,
    %get3A_63 = arith.constant 0 : index
    %get3A_64 = arith.constant 0 : index
    %get3A_65 = vector.load %arg1[%get3A_63, %get3A_64] : memref<1000x128xf32, #tpu.memory_space<vmem>>, vector<1000x128xf32>
    %get3A_66 = arith.constant 4 : index
    %get3A_67 = arith.constant 0 : index
    %get3A_68 = arith.constant 0 : index
    %get3A_69 = vector.load %arg2[%get3A_66, %get3A_67, %get3A_68] : memref<20x128x128xf32, #tpu.memory_space<vmem>>, vector<1x128x128xf32>
    %get3A_70 = vector.shape_cast %get3A_69 : vector<1x128x128xf32> to vector<128x128xf32>
    %dot_general3A_71 = arith.constant dense<0.000000e+00> : vector<1000x128xf32>
    %dot_general3A_72 = tpu.matmul %get3A_65, %get3A_70, %dot_general3A_71 {dimension_numbers = #tpu.dot_dimension_numbers<[1], [0], [0], [1], [0, 0, 1, 1], [], []>, transpose_lhs_hint = false} : vector<1000x128xf32>, vector<128x128xf32>, vector<1000x128xf32> -> vector<1000x128xf32>
    %swap3A_73 = arith.constant 4 : index
    %swap3A_74 = arith.constant 0 : index
    %swap3A_75 = arith.constant 0 : index
    %swap3A_76 = vector.load %arg7[%swap3A_73, %swap3A_74, %swap3A_75] : memref<21x1000x128xf32, #tpu.memory_space<vmem>>, vector<1x1000x128xf32>
    %swap3A_77 = vector.shape_cast %swap3A_76 : vector<1x1000x128xf32> to vector<1000x128xf32>
    %swap3A_78 = vector.shape_cast %dot_general3A_72 : vector<1000x128xf32> to vector<1x1000x128xf32>
    tpu.vector_store %arg7[%swap3A_73, %swap3A_74, %swap3A_75], %swap3A_78 {strides = array<i32>} : memref<21x1000x128xf32, #tpu.memory_space<vmem>>, vector<1x1000x128xf32>,
    %get3A_79 = arith.constant 0 : index
    %get3A_80 = arith.constant 0 : index
    %get3A_81 = vector.load %arg1[%get3A_79, %get3A_80] : memref<1000x128xf32, #tpu.memory_space<vmem>>, vector<1000x128xf32>
    %get3A_82 = arith.constant 5 : index
    %get3A_83 = arith.constant 0 : index
    %get3A_84 = arith.constant 0 : index
    %get3A_85 = vector.load %arg2[%get3A_82, %get3A_83, %get3A_84] : memref<20x128x128xf32, #tpu.memory_space<vmem>>, vector<1x128x128xf32>
    %get3A_86 = vector.shape_cast %get3A_85 : vector<1x128x128xf32> to vector<128x128xf32>
    %dot_general3A_87 = arith.constant dense<0.000000e+00> : vector<1000x128xf32>
    %dot_general3A_88 = tpu.matmul %get3A_81, %get3A_86, %dot_general3A_87 {dimension_numbers = #tpu.dot_dimension_numbers<[1], [0], [0], [1], [0, 0, 1, 1], [], []>, transpose_lhs_hint = false} : vector<1000x128xf32>, vector<128x128xf32>, vector<1000x128xf32> -> vector<1000x128xf32>
    %swap3A_89 = arith.constant 5 : index
    %swap3A_90 = arith.constant 0 : index
    %swap3A_91 = arith.constant 0 : index
    %swap3A_92 = vector.load %arg7[%swap3A_89, %swap3A_90, %swap3A_91] : memref<21x1000x128xf32, #tpu.memory_space<vmem>>, vector<1x1000x128xf32>
    %swap3A_93 = vector.shape_cast %swap3A_92 : vector<1x1000x128xf32> to vector<1000x128xf32>
    %swap3A_94 = vector.shape_cast %dot_general3A_88 : vector<1000x128xf32> to vector<1x1000x128xf32>
    tpu.vector_store %arg7[%swap3A_89, %swap3A_90, %swap3A_91], %swap3A_94 {strides = array<i32>} : memref<21x1000x128xf32, #tpu.memory_space<vmem>>, vector<1x1000x128xf32>,
    %get3A_95 = arith.constant 0 : index
    %get3A_96 = arith.constant 0 : index
    %get3A_97 = vector.load %arg1[%get3A_95, %get3A_96] : memref<1000x128xf32, #tpu.memory_space<vmem>>, vector<1000x128xf32>
    %get3A_98 = arith.constant 6 : index
    %get3A_99 = arith.constant 0 : index
    %get3A_100 = arith.constant 0 : index
    %get3A_101 = vector.load %arg2[%get3A_98, %get3A_99, %get3A_100] : memref<20x128x128xf32, #tpu.memory_space<vmem>>, vector<1x128x128xf32>
    %get3A_102 = vector.shape_cast %get3A_101 : vector<1x128x128xf32> to vector<128x128xf32>
    %dot_general3A_103 = arith.constant dense<0.000000e+00> : vector<1000x128xf32>
    %dot_general3A_104 = tpu.matmul %get3A_97, %get3A_102, %dot_general3A_103 {dimension_numbers = #tpu.dot_dimension_numbers<[1], [0], [0], [1], [0, 0, 1, 1], [], []>, transpose_lhs_hint = false} : vector<1000x128xf32>, vector<128x128xf32>, vector<1000x128xf32> -> vector<1000x128xf32>
    %swap3A_105 = arith.constant 6 : index
    %swap3A_106 = arith.constant 0 : index
    %swap3A_107 = arith.constant 0 : index
    %swap3A_108 = vector.load %arg7[%swap3A_105, %swap3A_106, %swap3A_107] : memref<21x1000x128xf32, #tpu.memory_space<vmem>>, vector<1x1000x128xf32>
    %swap3A_109 = vector.shape_cast %swap3A_108 : vector<1x1000x128xf32> to vector<1000x128xf32>
    %swap3A_110 = vector.shape_cast %dot_general3A_104 : vector<1000x128xf32> to vector<1x1000x128xf32>
    tpu.vector_store %arg7[%swap3A_105, %swap3A_106, %swap3A_107], %swap3A_110 {strides = array<i32>} : memref<21x1000x128xf32, #tpu.memory_space<vmem>>, vector<1x1000x128xf32>,
    %get3A_111 = arith.constant 0 : index
    %get3A_112 = arith.constant 0 : index
    %get3A_113 = vector.load %arg1[%get3A_111, %get3A_112] : memref<1000x128xf32, #tpu.memory_space<vmem>>, vector<1000x128xf32>
    %get3A_114 = arith.constant 7 : index
    %get3A_115 = arith.constant 0 : index
    %get3A_116 = arith.constant 0 : index
    %get3A_117 = vector.load %arg2[%get3A_114, %get3A_115, %get3A_116] : memref<20x128x128xf32, #tpu.memory_space<vmem>>, vector<1x128x128xf32>
    %get3A_118 = vector.shape_cast %get3A_117 : vector<1x128x128xf32> to vector<128x128xf32>
    %dot_general3A_119 = arith.constant dense<0.000000e+00> : vector<1000x128xf32>
    %dot_general3A_120 = tpu.matmul %get3A_113, %get3A_118, %dot_general3A_119 {dimension_numbers = #tpu.dot_dimension_numbers<[1], [0], [0], [1], [0, 0, 1, 1], [], []>, transpose_lhs_hint = false} : vector<1000x128xf32>, vector<128x128xf32>, vector<1000x128xf32> -> vector<1000x128xf32>
    %swap3A_121 = arith.constant 7 : index
    %swap3A_122 = arith.constant 0 : index
    %swap3A_123 = arith.constant 0 : index
    %swap3A_124 = vector.load %arg7[%swap3A_121, %swap3A_122, %swap3A_123] : memref<21x1000x128xf32, #tpu.memory_space<vmem>>, vector<1x1000x128xf32>
    %swap3A_125 = vector.shape_cast %swap3A_124 : vector<1x1000x128xf32> to vector<1000x128xf32>
    %swap3A_126 = vector.shape_cast %dot_general3A_120 : vector<1000x128xf32> to vector<1x1000x128xf32>
    tpu.vector_store %arg7[%swap3A_121, %swap3A_122, %swap3A_123], %swap3A_126 {strides = array<i32>} : memref<21x1000x128xf32, #tpu.memory_space<vmem>>, vector<1x1000x128xf32>,
    %get3A_127 = arith.constant 0 : index
    %get3A_128 = arith.constant 0 : index
    %get3A_129 = vector.load %arg1[%get3A_127, %get3A_128] : memref<1000x128xf32, #tpu.memory_space<vmem>>, vector<1000x128xf32>
    %get3A_130 = arith.constant 8 : index
    %get3A_131 = arith.constant 0 : index
    %get3A_132 = arith.constant 0 : index
    %get3A_133 = vector.load %arg2[%get3A_130, %get3A_131, %get3A_132] : memref<20x128x128xf32, #tpu.memory_space<vmem>>, vector<1x128x128xf32>
    %get3A_134 = vector.shape_cast %get3A_133 : vector<1x128x128xf32> to vector<128x128xf32>
    %dot_general3A_135 = arith.constant dense<0.000000e+00> : vector<1000x128xf32>
    %dot_general3A_136 = tpu.matmul %get3A_129, %get3A_134, %dot_general3A_135 {dimension_numbers = #tpu.dot_dimension_numbers<[1], [0], [0], [1], [0, 0, 1, 1], [], []>, transpose_lhs_hint = false} : vector<1000x128xf32>, vector<128x128xf32>, vector<1000x128xf32> -> vector<1000x128xf32>
    %swap3A_137 = arith.constant 8 : index
    %swap3A_138 = arith.constant 0 : index
    %swap3A_139 = arith.constant 0 : index
    %swap3A_140 = vector.load %arg7[%swap3A_137, %swap3A_138, %swap3A_139] : memref<21x1000x128xf32, #tpu.memory_space<vmem>>, vector<1x1000x128xf32>
    %swap3A_141 = vector.shape_cast %swap3A_140 : vector<1x1000x128xf32> to vector<1000x128xf32>
    %swap3A_142 = vector.shape_cast %dot_general3A_136 : vector<1000x128xf32> to vector<1x1000x128xf32>
    tpu.vector_store %arg7[%swap3A_137, %swap3A_138, %swap3A_139], %swap3A_142 {strides = array<i32>} : memref<21x1000x128xf32, #tpu.memory_space<vmem>>, vector<1x1000x128xf32>,
    %get3A_143 = arith.constant 0 : index
    %get3A_144 = arith.constant 0 : index
    %get3A_145 = vector.load %arg1[%get3A_143, %get3A_144] : memref<1000x128xf32, #tpu.memory_space<vmem>>, vector<1000x128xf32>
    %get3A_146 = arith.constant 9 : index
    %get3A_147 = arith.constant 0 : index
    %get3A_148 = arith.constant 0 : index
    %get3A_149 = vector.load %arg2[%get3A_146, %get3A_147, %get3A_148] : memref<20x128x128xf32, #tpu.memory_space<vmem>>, vector<1x128x128xf32>
    %get3A_150 = vector.shape_cast %get3A_149 : vector<1x128x128xf32> to vector<128x128xf32>
    %dot_general3A_151 = arith.constant dense<0.000000e+00> : vector<1000x128xf32>
    %dot_general3A_152 = tpu.matmul %get3A_145, %get3A_150, %dot_general3A_151 {dimension_numbers = #tpu.dot_dimension_numbers<[1], [0], [0], [1], [0, 0, 1, 1], [], []>, transpose_lhs_hint = false} : vector<1000x128xf32>, vector<128x128xf32>, vector<1000x128xf32> -> vector<1000x128xf32>
    %swap3A_153 = arith.constant 9 : index
    %swap3A_154 = arith.constant 0 : index
    %swap3A_155 = arith.constant 0 : index
    %swap3A_156 = vector.load %arg7[%swap3A_153, %swap3A_154, %swap3A_155] : memref<21x1000x128xf32, #tpu.memory_space<vmem>>, vector<1x1000x128xf32>
    %swap3A_157 = vector.shape_cast %swap3A_156 : vector<1x1000x128xf32> to vector<1000x128xf32>
    %swap3A_158 = vector.shape_cast %dot_general3A_152 : vector<1000x128xf32> to vector<1x1000x128xf32>
    tpu.vector_store %arg7[%swap3A_153, %swap3A_154, %swap3A_155], %swap3A_158 {strides = array<i32>} : memref<21x1000x128xf32, #tpu.memory_space<vmem>>, vector<1x1000x128xf32>,
    %get3A_159 = arith.constant 0 : index
    %get3A_160 = arith.constant 0 : index
    %get3A_161 = vector.load %arg1[%get3A_159, %get3A_160] : memref<1000x128xf32, #tpu.memory_space<vmem>>, vector<1000x128xf32>
    %get3A_162 = arith.constant 10 : index
    %get3A_163 = arith.constant 0 : index
    %get3A_164 = arith.constant 0 : index
    %get3A_165 = vector.load %arg2[%get3A_162, %get3A_163, %get3A_164] : memref<20x128x128xf32, #tpu.memory_space<vmem>>, vector<1x128x128xf32>
    %get3A_166 = vector.shape_cast %get3A_165 : vector<1x128x128xf32> to vector<128x128xf32>
    %dot_general3A_167 = arith.constant dense<0.000000e+00> : vector<1000x128xf32>
    %dot_general3A_168 = tpu.matmul %get3A_161, %get3A_166, %dot_general3A_167 {dimension_numbers = #tpu.dot_dimension_numbers<[1], [0], [0], [1], [0, 0, 1, 1], [], []>, transpose_lhs_hint = false} : vector<1000x128xf32>, vector<128x128xf32>, vector<1000x128xf32> -> vector<1000x128xf32>
    %swap3A_169 = arith.constant 10 : index
    %swap3A_170 = arith.constant 0 : index
    %swap3A_171 = arith.constant 0 : index
    %swap3A_172 = vector.load %arg7[%swap3A_169, %swap3A_170, %swap3A_171] : memref<21x1000x128xf32, #tpu.memory_space<vmem>>, vector<1x1000x128xf32>
    %swap3A_173 = vector.shape_cast %swap3A_172 : vector<1x1000x128xf32> to vector<1000x128xf32>
    %swap3A_174 = vector.shape_cast %dot_general3A_168 : vector<1000x128xf32> to vector<1x1000x128xf32>
    tpu.vector_store %arg7[%swap3A_169, %swap3A_170, %swap3A_171], %swap3A_174 {strides = array<i32>} : memref<21x1000x128xf32, #tpu.memory_space<vmem>>, vector<1x1000x128xf32>,
    %get3A_175 = arith.constant 0 : index
    %get3A_176 = arith.constant 0 : index
    %get3A_177 = vector.load %arg1[%get3A_175, %get3A_176] : memref<1000x128xf32, #tpu.memory_space<vmem>>, vector<1000x128xf32>
    %get3A_178 = arith.constant 11 : index
    %get3A_179 = arith.constant 0 : index
    %get3A_180 = arith.constant 0 : index
    %get3A_181 = vector.load %arg2[%get3A_178, %get3A_179, %get3A_180] : memref<20x128x128xf32, #tpu.memory_space<vmem>>, vector<1x128x128xf32>
    %get3A_182 = vector.shape_cast %get3A_181 : vector<1x128x128xf32> to vector<128x128xf32>
    %dot_general3A_183 = arith.constant dense<0.000000e+00> : vector<1000x128xf32>
    %dot_general3A_184 = tpu.matmul %get3A_177, %get3A_182, %dot_general3A_183 {dimension_numbers = #tpu.dot_dimension_numbers<[1], [0], [0], [1], [0, 0, 1, 1], [], []>, transpose_lhs_hint = false} : vector<1000x128xf32>, vector<128x128xf32>, vector<1000x128xf32> -> vector<1000x128xf32>
    %swap3A_185 = arith.constant 11 : index
    %swap3A_186 = arith.constant 0 : index
    %swap3A_187 = arith.constant 0 : index
    %swap3A_188 = vector.load %arg7[%swap3A_185, %swap3A_186, %swap3A_187] : memref<21x1000x128xf32, #tpu.memory_space<vmem>>, vector<1x1000x128xf32>
    %swap3A_189 = vector.shape_cast %swap3A_188 : vector<1x1000x128xf32> to vector<1000x128xf32>
    %swap3A_190 = vector.shape_cast %dot_general3A_184 : vector<1000x128xf32> to vector<1x1000x128xf32>
    tpu.vector_store %arg7[%swap3A_185, %swap3A_186, %swap3A_187], %swap3A_190 {strides = array<i32>} : memref<21x1000x128xf32, #tpu.memory_space<vmem>>, vector<1x1000x128xf32>,
    %get3A_191 = arith.constant 0 : index
    %get3A_192 = arith.constant 0 : index
    %get3A_193 = vector.load %arg1[%get3A_191, %get3A_192] : memref<1000x128xf32, #tpu.memory_space<vmem>>, vector<1000x128xf32>
    %get3A_194 = arith.constant 12 : index
    %get3A_195 = arith.constant 0 : index
    %get3A_196 = arith.constant 0 : index
    %get3A_197 = vector.load %arg2[%get3A_194, %get3A_195, %get3A_196] : memref<20x128x128xf32, #tpu.memory_space<vmem>>, vector<1x128x128xf32>
    %get3A_198 = vector.shape_cast %get3A_197 : vector<1x128x128xf32> to vector<128x128xf32>
    %dot_general3A_199 = arith.constant dense<0.000000e+00> : vector<1000x128xf32>
    %dot_general3A_200 = tpu.matmul %get3A_193, %get3A_198, %dot_general3A_199 {dimension_numbers = #tpu.dot_dimension_numbers<[1], [0], [0], [1], [0, 0, 1, 1], [], []>, transpose_lhs_hint = false} : vector<1000x128xf32>, vector<128x128xf32>, vector<1000x128xf32> -> vector<1000x128xf32>
    %swap3A_201 = arith.constant 12 : index
    %swap3A_202 = arith.constant 0 : index
    %swap3A_203 = arith.constant 0 : index
    %swap3A_204 = vector.load %arg7[%swap3A_201, %swap3A_202, %swap3A_203] : memref<21x1000x128xf32, #tpu.memory_space<vmem>>, vector<1x1000x128xf32>
    %swap3A_205 = vector.shape_cast %swap3A_204 : vector<1x1000x128xf32> to vector<1000x128xf32>
    %swap3A_206 = vector.shape_cast %dot_general3A_200 : vector<1000x128xf32> to vector<1x1000x128xf32>
    tpu.vector_store %arg7[%swap3A_201, %swap3A_202, %swap3A_203], %swap3A_206 {strides = array<i32>} : memref<21x1000x128xf32, #tpu.memory_space<vmem>>, vector<1x1000x128xf32>,
    %get3A_207 = arith.constant 0 : index
    %get3A_208 = arith.constant 0 : index
    %get3A_209 = vector.load %arg1[%get3A_207, %get3A_208] : memref<1000x128xf32, #tpu.memory_space<vmem>>, vector<1000x128xf32>
    %get3A_210 = arith.constant 13 : index
    %get3A_211 = arith.constant 0 : index
    %get3A_212 = arith.constant 0 : index
    %get3A_213 = vector.load %arg2[%get3A_210, %get3A_211, %get3A_212] : memref<20x128x128xf32, #tpu.memory_space<vmem>>, vector<1x128x128xf32>
    %get3A_214 = vector.shape_cast %get3A_213 : vector<1x128x128xf32> to vector<128x128xf32>
    %dot_general3A_215 = arith.constant dense<0.000000e+00> : vector<1000x128xf32>
    %dot_general3A_216 = tpu.matmul %get3A_209, %get3A_214, %dot_general3A_215 {dimension_numbers = #tpu.dot_dimension_numbers<[1], [0], [0], [1], [0, 0, 1, 1], [], []>, transpose_lhs_hint = false} : vector<1000x128xf32>, vector<128x128xf32>, vector<1000x128xf32> -> vector<1000x128xf32>
    %swap3A_217 = arith.constant 13 : index
    %swap3A_218 = arith.constant 0 : index
    %swap3A_219 = arith.constant 0 : index
    %swap3A_220 = vector.load %arg7[%swap3A_217, %swap3A_218, %swap3A_219] : memref<21x1000x128xf32, #tpu.memory_space<vmem>>, vector<1x1000x128xf32>
    %swap3A_221 = vector.shape_cast %swap3A_220 : vector<1x1000x128xf32> to vector<1000x128xf32>
    %swap3A_222 = vector.shape_cast %dot_general3A_216 : vector<1000x128xf32> to vector<1x1000x128xf32>
    tpu.vector_store %arg7[%swap3A_217, %swap3A_218, %swap3A_219], %swap3A_222 {strides = array<i32>} : memref<21x1000x128xf32, #tpu.memory_space<vmem>>, vector<1x1000x128xf32>,
    %get3A_223 = arith.constant 0 : index
    %get3A_224 = arith.constant 0 : index
    %get3A_225 = vector.load %arg1[%get3A_223, %get3A_224] : memref<1000x128xf32, #tpu.memory_space<vmem>>, vector<1000x128xf32>
    %get3A_226 = arith.constant 14 : index
    %get3A_227 = arith.constant 0 : index
    %get3A_228 = arith.constant 0 : index
    %get3A_229 = vector.load %arg2[%get3A_226, %get3A_227, %get3A_228] : memref<20x128x128xf32, #tpu.memory_space<vmem>>, vector<1x128x128xf32>
    %get3A_230 = vector.shape_cast %get3A_229 : vector<1x128x128xf32> to vector<128x128xf32>
    %dot_general3A_231 = arith.constant dense<0.000000e+00> : vector<1000x128xf32>
    %dot_general3A_232 = tpu.matmul %get3A_225, %get3A_230, %dot_general3A_231 {dimension_numbers = #tpu.dot_dimension_numbers<[1], [0], [0], [1], [0, 0, 1, 1], [], []>, transpose_lhs_hint = false} : vector<1000x128xf32>, vector<128x128xf32>, vector<1000x128xf32> -> vector<1000x128xf32>
    %swap3A_233 = arith.constant 14 : index
    %swap3A_234 = arith.constant 0 : index
    %swap3A_235 = arith.constant 0 : index
    %swap3A_236 = vector.load %arg7[%swap3A_233, %swap3A_234, %swap3A_235] : memref<21x1000x128xf32, #tpu.memory_space<vmem>>, vector<1x1000x128xf32>
    %swap3A_237 = vector.shape_cast %swap3A_236 : vector<1x1000x128xf32> to vector<1000x128xf32>
    %swap3A_238 = vector.shape_cast %dot_general3A_232 : vector<1000x128xf32> to vector<1x1000x128xf32>
    tpu.vector_store %arg7[%swap3A_233, %swap3A_234, %swap3A_235], %swap3A_238 {strides = array<i32>} : memref<21x1000x128xf32, #tpu.memory_space<vmem>>, vector<1x1000x128xf32>,
    %get3A_239 = arith.constant 0 : index
    %get3A_240 = arith.constant 0 : index
    %get3A_241 = vector.load %arg1[%get3A_239, %get3A_240] : memref<1000x128xf32, #tpu.memory_space<vmem>>, vector<1000x128xf32>
    %get3A_242 = arith.constant 15 : index
    %get3A_243 = arith.constant 0 : index
    %get3A_244 = arith.constant 0 : index
    %get3A_245 = vector.load %arg2[%get3A_242, %get3A_243, %get3A_244] : memref<20x128x128xf32, #tpu.memory_space<vmem>>, vector<1x128x128xf32>
    %get3A_246 = vector.shape_cast %get3A_245 : vector<1x128x128xf32> to vector<128x128xf32>
    %dot_general3A_247 = arith.constant dense<0.000000e+00> : vector<1000x128xf32>
    %dot_general3A_248 = tpu.matmul %get3A_241, %get3A_246, %dot_general3A_247 {dimension_numbers = #tpu.dot_dimension_numbers<[1], [0], [0], [1], [0, 0, 1, 1], [], []>, transpose_lhs_hint = false} : vector<1000x128xf32>, vector<128x128xf32>, vector<1000x128xf32> -> vector<1000x128xf32>
    %swap3A_249 = arith.constant 15 : index
    %swap3A_250 = arith.constant 0 : index
    %swap3A_251 = arith.constant 0 : index
    %swap3A_252 = vector.load %arg7[%swap3A_249, %swap3A_250, %swap3A_251] : memref<21x1000x128xf32, #tpu.memory_space<vmem>>, vector<1x1000x128xf32>
    %swap3A_253 = vector.shape_cast %swap3A_252 : vector<1x1000x128xf32> to vector<1000x128xf32>
    %swap3A_254 = vector.shape_cast %dot_general3A_248 : vector<1000x128xf32> to vector<1x1000x128xf32>
    tpu.vector_store %arg7[%swap3A_249, %swap3A_250, %swap3A_251], %swap3A_254 {strides = array<i32>} : memref<21x1000x128xf32, #tpu.memory_space<vmem>>, vector<1x1000x128xf32>,
    %get3A_255 = arith.constant 0 : index
    %get3A_256 = arith.constant 0 : index
    %get3A_257 = vector.load %arg1[%get3A_255, %get3A_256] : memref<1000x128xf32, #tpu.memory_space<vmem>>, vector<1000x128xf32>
    %get3A_258 = arith.constant 16 : index
    %get3A_259 = arith.constant 0 : index
    %get3A_260 = arith.constant 0 : index
    %get3A_261 = vector.load %arg2[%get3A_258, %get3A_259, %get3A_260] : memref<20x128x128xf32, #tpu.memory_space<vmem>>, vector<1x128x128xf32>
    %get3A_262 = vector.shape_cast %get3A_261 : vector<1x128x128xf32> to vector<128x128xf32>
    %dot_general3A_263 = arith.constant dense<0.000000e+00> : vector<1000x128xf32>
    %dot_general3A_264 = tpu.matmul %get3A_257, %get3A_262, %dot_general3A_263 {dimension_numbers = #tpu.dot_dimension_numbers<[1], [0], [0], [1], [0, 0, 1, 1], [], []>, transpose_lhs_hint = false} : vector<1000x128xf32>, vector<128x128xf32>, vector<1000x128xf32> -> vector<1000x128xf32>
    %swap3A_265 = arith.constant 16 : index
    %swap3A_266 = arith.constant 0 : index
    %swap3A_267 = arith.constant 0 : index
    %swap3A_268 = vector.load %arg7[%swap3A_265, %swap3A_266, %swap3A_267] : memref<21x1000x128xf32, #tpu.memory_space<vmem>>, vector<1x1000x128xf32>
    %swap3A_269 = vector.shape_cast %swap3A_268 : vector<1x1000x128xf32> to vector<1000x128xf32>
    %swap3A_270 = vector.shape_cast %dot_general3A_264 : vector<1000x128xf32> to vector<1x1000x128xf32>
    tpu.vector_store %arg7[%swap3A_265, %swap3A_266, %swap3A_267], %swap3A_270 {strides = array<i32>} : memref<21x1000x128xf32, #tpu.memory_space<vmem>>, vector<1x1000x128xf32>,
    %get3A_271 = arith.constant 0 : index
    %get3A_272 = arith.constant 0 : index
    %get3A_273 = vector.load %arg1[%get3A_271, %get3A_272] : memref<1000x128xf32, #tpu.memory_space<vmem>>, vector<1000x128xf32>
    %get3A_274 = arith.constant 17 : index
    %get3A_275 = arith.constant 0 : index
    %get3A_276 = arith.constant 0 : index
    %get3A_277 = vector.load %arg2[%get3A_274, %get3A_275, %get3A_276] : memref<20x128x128xf32, #tpu.memory_space<vmem>>, vector<1x128x128xf32>
    %get3A_278 = vector.shape_cast %get3A_277 : vector<1x128x128xf32> to vector<128x128xf32>
    %dot_general3A_279 = arith.constant dense<0.000000e+00> : vector<1000x128xf32>
    %dot_general3A_280 = tpu.matmul %get3A_273, %get3A_278, %dot_general3A_279 {dimension_numbers = #tpu.dot_dimension_numbers<[1], [0], [0], [1], [0, 0, 1, 1], [], []>, transpose_lhs_hint = false} : vector<1000x128xf32>, vector<128x128xf32>, vector<1000x128xf32> -> vector<1000x128xf32>
    %swap3A_281 = arith.constant 17 : index
    %swap3A_282 = arith.constant 0 : index
    %swap3A_283 = arith.constant 0 : index
    %swap3A_284 = vector.load %arg7[%swap3A_281, %swap3A_282, %swap3A_283] : memref<21x1000x128xf32, #tpu.memory_space<vmem>>, vector<1x1000x128xf32>
    %swap3A_285 = vector.shape_cast %swap3A_284 : vector<1x1000x128xf32> to vector<1000x128xf32>
    %swap3A_286 = vector.shape_cast %dot_general3A_280 : vector<1000x128xf32> to vector<1x1000x128xf32>
    tpu.vector_store %arg7[%swap3A_281, %swap3A_282, %swap3A_283], %swap3A_286 {strides = array<i32>} : memref<21x1000x128xf32, #tpu.memory_space<vmem>>, vector<1x1000x128xf32>,
    %get3A_287 = arith.constant 0 : index
    %get3A_288 = arith.constant 0 : index
    %get3A_289 = vector.load %arg1[%get3A_287, %get3A_288] : memref<1000x128xf32, #tpu.memory_space<vmem>>, vector<1000x128xf32>
    %get3A_290 = arith.constant 18 : index
    %get3A_291 = arith.constant 0 : index
    %get3A_292 = arith.constant 0 : index
    %get3A_293 = vector.load %arg2[%get3A_290, %get3A_291, %get3A_292] : memref<20x128x128xf32, #tpu.memory_space<vmem>>, vector<1x128x128xf32>
    %get3A_294 = vector.shape_cast %get3A_293 : vector<1x128x128xf32> to vector<128x128xf32>
    %dot_general3A_295 = arith.constant dense<0.000000e+00> : vector<1000x128xf32>
    %dot_general3A_296 = tpu.matmul %get3A_289, %get3A_294, %dot_general3A_295 {dimension_numbers = #tpu.dot_dimension_numbers<[1], [0], [0], [1], [0, 0, 1, 1], [], []>, transpose_lhs_hint = false} : vector<1000x128xf32>, vector<128x128xf32>, vector<1000x128xf32> -> vector<1000x128xf32>
    %swap3A_297 = arith.constant 18 : index
    %swap3A_298 = arith.constant 0 : index
    %swap3A_299 = arith.constant 0 : index
    %swap3A_300 = vector.load %arg7[%swap3A_297, %swap3A_298, %swap3A_299] : memref<21x1000x128xf32, #tpu.memory_space<vmem>>, vector<1x1000x128xf32>
    %swap3A_301 = vector.shape_cast %swap3A_300 : vector<1x1000x128xf32> to vector<1000x128xf32>
    %swap3A_302 = vector.shape_cast %dot_general3A_296 : vector<1000x128xf32> to vector<1x1000x128xf32>
    tpu.vector_store %arg7[%swap3A_297, %swap3A_298, %swap3A_299], %swap3A_302 {strides = array<i32>} : memref<21x1000x128xf32, #tpu.memory_space<vmem>>, vector<1x1000x128xf32>,
    %get3A_303 = arith.constant 0 : index
    %get3A_304 = arith.constant 0 : index
    %get3A_305 = vector.load %arg1[%get3A_303, %get3A_304] : memref<1000x128xf32, #tpu.memory_space<vmem>>, vector<1000x128xf32>
    %get3A_306 = arith.constant 19 : index
    %get3A_307 = arith.constant 0 : index
    %get3A_308 = arith.constant 0 : index
    %get3A_309 = vector.load %arg2[%get3A_306, %get3A_307, %get3A_308] : memref<20x128x128xf32, #tpu.memory_space<vmem>>, vector<1x128x128xf32>
    %get3A_310 = vector.shape_cast %get3A_309 : vector<1x128x128xf32> to vector<128x128xf32>
    %dot_general3A_311 = arith.constant dense<0.000000e+00> : vector<1000x128xf32>
    %dot_general3A_312 = tpu.matmul %get3A_305, %get3A_310, %dot_general3A_311 {dimension_numbers = #tpu.dot_dimension_numbers<[1], [0], [0], [1], [0, 0, 1, 1], [], []>, transpose_lhs_hint = false} : vector<1000x128xf32>, vector<128x128xf32>, vector<1000x128xf32> -> vector<1000x128xf32>
    %swap3A_313 = arith.constant 19 : index
    %swap3A_314 = arith.constant 0 : index
    %swap3A_315 = arith.constant 0 : index
    %swap3A_316 = vector.load %arg7[%swap3A_313, %swap3A_314, %swap3A_315] : memref<21x1000x128xf32, #tpu.memory_space<vmem>>, vector<1x1000x128xf32>
    %swap3A_317 = vector.shape_cast %swap3A_316 : vector<1x1000x128xf32> to vector<1000x128xf32>
    %swap3A_318 = vector.shape_cast %dot_general3A_312 : vector<1000x128xf32> to vector<1x1000x128xf32>
    tpu.vector_store %arg7[%swap3A_313, %swap3A_314, %swap3A_315], %swap3A_318 {strides = array<i32>} : memref<21x1000x128xf32, #tpu.memory_space<vmem>>, vector<1x1000x128xf32>,
    %get3A_319 = arith.constant 0 : index
    %get3A_320 = arith.constant 0 : index
    %get3A_321 = vector.load %arg1[%get3A_319, %get3A_320] : memref<1000x128xf32, #tpu.memory_space<vmem>>, vector<1000x128xf32>
    %get3A_322 = arith.constant 0 : index
    %get3A_323 = arith.constant 0 : index
    %get3A_324 = vector.load %arg3[%get3A_322, %get3A_323] : memref<128x128xf32, #tpu.memory_space<vmem>>, vector<128x128xf32>
    %dot_general3A_325 = arith.constant dense<0.000000e+00> : vector<1000x128xf32>
    %dot_general3A_326 = tpu.matmul %get3A_321, %get3A_324, %dot_general3A_325 {dimension_numbers = #tpu.dot_dimension_numbers<[1], [0], [0], [1], [0, 0, 1, 1], [], []>, transpose_lhs_hint = false} : vector<1000x128xf32>, vector<128x128xf32>, vector<1000x128xf32> -> vector<1000x128xf32>
    %swap3A_327 = arith.constant 20 : index
    %swap3A_328 = arith.constant 0 : index
    %swap3A_329 = arith.constant 0 : index
    %swap3A_330 = vector.load %arg7[%swap3A_327, %swap3A_328, %swap3A_329] : memref<21x1000x128xf32, #tpu.memory_space<vmem>>, vector<1x1000x128xf32>
    %swap3A_331 = vector.shape_cast %swap3A_330 : vector<1x1000x128xf32> to vector<1000x128xf32>
    %swap3A_332 = vector.shape_cast %dot_general3A_326 : vector<1000x128xf32> to vector<1x1000x128xf32>
    tpu.vector_store %arg7[%swap3A_327, %swap3A_328, %swap3A_329], %swap3A_332 {strides = array<i32>} : memref<21x1000x128xf32, #tpu.memory_space<vmem>>, vector<1x1000x128xf32>,
    return
  }
  func.func @transform_0(%arg0: i32) -> (i32, i32) {
    %c0_i32 = arith.constant 0 : i32
    %c0_i32_0 = arith.constant 0 : i32
    return %arg0, %c0_i32 : i32, i32
  }
  func.func @transform_1(%arg0: i32) -> (i32, i32, i32) {
    %c0_i32 = arith.constant 0 : i32
    %c0_i32_0 = arith.constant 0 : i32
    %c0_i32_1 = arith.constant 0 : i32
    %c0_i32_2 = arith.constant 0 : i32
    return %c0_i32, %c0_i32_0, %c0_i32_1 : i32, i32, i32
  }
  func.func @transform_2(%arg0: i32) -> (i32, i32) {
    %c0_i32 = arith.constant 0 : i32
    %c0_i32_0 = arith.constant 0 : i32
    %c0_i32_1 = arith.constant 0 : i32
    return %c0_i32, %c0_i32_0 : i32, i32
  }
  func.func @transform_3(%arg0: i32) -> (i32, i32) {
    %c0_i32 = arith.constant 0 : i32
    %c0_i32_0 = arith.constant 0 : i32
    %c0_i32_1 = arith.constant 0 : i32
    return %c0_i32, %c0_i32_0 : i32, i32
  }
  func.func @transform_4(%arg0: i32) -> (i32, i32) {
    %c0_i32 = arith.constant 0 : i32
    %c0_i32_0 = arith.constant 0 : i32
    %c0_i32_1 = arith.constant 0 : i32
    return %c0_i32, %c0_i32_0 : i32, i32
  }
  func.func @transform_5(%arg0: i32) -> (i32, i32) {
    %c0_i32 = arith.constant 0 : i32
    %c0_i32_0 = arith.constant 0 : i32
    %c0_i32_1 = arith.constant 0 : i32
    return %c0_i32, %c0_i32_0 : i32, i32
  }
  func.func @transform_6(%arg0: i32) -> (i32, i32, i32) {
    %c0_i32 = arith.constant 0 : i32
    %c0_i32_0 = arith.constant 0 : i32
    %c0_i32_1 = arith.constant 0 : i32
    return %c0_i32, %arg0, %c0_i32_0 : i32, i32, i32
  }
  func.func @transform_7(%arg0: i32) -> (i32, i32) {
    %c0_i32 = arith.constant 0 : i32
    %c0_i32_0 = arith.constant 0 : i32
    %c0_i32_1 = arith.constant 0 : i32
    return %c0_i32, %c0_i32_0 : i32, i32
  }
}

module attributes {stable_mosaic.version = 14 : i64} {
  func.func @_ln_body(%arg0: i32, %arg1: memref<2x1000x128xf32, #tpu.memory_space<vmem>>, %arg2: memref<1x1000x128xf32, #tpu.memory_space<vmem>>, %arg3: memref<1x128xf32, #tpu.memory_space<vmem>>, %arg4: memref<1x128xf32, #tpu.memory_space<vmem>>, %arg5: memref<1x128xf32, #tpu.memory_space<vmem>>, %arg6: memref<1000x128xf32, #tpu.memory_space<vmem>>) attributes {dimension_semantics = [#tpu.dimension_semantics<arbitrary>], iteration_bounds = array<i64: 10>, scalar_prefetch = 0 : i64, scratch_operands = 0 : i64, tpu.core_type = #tpu.core_type<tc>, window_params = [{transform_indices = @transform_0, window_bounds = array<i64: 2, 1000, 128>}, {transform_indices = @transform_1, window_bounds = array<i64: 1, 1000, 128>}, {pipeline_mode = #tpu.pipeline_mode<synchronous>, transform_indices = @transform_2, window_bounds = array<i64: 1, 128>}, {pipeline_mode = #tpu.pipeline_mode<synchronous>, transform_indices = @transform_3, window_bounds = array<i64: 1, 128>}, {pipeline_mode = #tpu.pipeline_mode<synchronous>, transform_indices = @transform_4, window_bounds = array<i64: 1, 128>}, {transform_indices = @transform_5, window_bounds = array<i64: 1000, 128>}]} {
    %get3A = arith.constant 0 : index
    %get3A_0 = arith.constant 0 : index
    %get3A_1 = arith.constant 0 : index
    %get3A_2 = vector.load %arg1[%get3A, %get3A_0, %get3A_1] : memref<2x1000x128xf32, #tpu.memory_space<vmem>>, vector<1x1000x128xf32>
    %get3A_3 = vector.shape_cast %get3A_2 : vector<1x1000x128xf32> to vector<1000x128xf32>
    %get3A_4 = arith.constant 1 : index
    %get3A_5 = arith.constant 0 : index
    %get3A_6 = arith.constant 0 : index
    %get3A_7 = vector.load %arg1[%get3A_4, %get3A_5, %get3A_6] : memref<2x1000x128xf32, #tpu.memory_space<vmem>>, vector<1x1000x128xf32>
    %get3A_8 = vector.shape_cast %get3A_7 : vector<1x1000x128xf32> to vector<1000x128xf32>
    %add3A = arith.addf %get3A_3, %get3A_8 : vector<1000x128xf32>
    %reduce_sum3A = arith.constant dense<0.000000e+00> : vector<1000xf32>
    %reduce_sum3A_9 = vector.multi_reduction <add>, %add3A, %reduce_sum3A [1] : vector<1000x128xf32> to vector<1000xf32>
    %broadcast_in_dim3A = vector.shape_cast %reduce_sum3A_9 : vector<1000xf32> to vector<1000x1xf32>
    %div3A = arith.constant 1.280000e+02 : f32
    %div3A_10 = vector.broadcast %div3A : f32 to vector<1000x1xf32>
    %div3A_11 = arith.divf %broadcast_in_dim3A, %div3A_10 : vector<1000x1xf32>
    %sub3A = vector.broadcast %div3A_11 : vector<1000x1xf32> to vector<1000x128xf32>
    %sub3A_12 = arith.subf %add3A, %sub3A : vector<1000x128xf32>
    %mul3A = arith.mulf %sub3A_12, %sub3A_12 : vector<1000x128xf32>
    %reduce_sum3A_13 = arith.constant dense<0.000000e+00> : vector<1000xf32>
    %reduce_sum3A_14 = vector.multi_reduction <add>, %mul3A, %reduce_sum3A_13 [1] : vector<1000x128xf32> to vector<1000xf32>
    %broadcast_in_dim3A_15 = vector.shape_cast %reduce_sum3A_14 : vector<1000xf32> to vector<1000x1xf32>
    %div3A_16 = arith.constant 1.280000e+02 : f32
    %div3A_17 = vector.broadcast %div3A_16 : f32 to vector<1000x1xf32>
    %div3A_18 = arith.divf %broadcast_in_dim3A_15, %div3A_17 : vector<1000x1xf32>
    %add3A_19 = arith.constant 9.99999974E-6 : f32
    %add3A_20 = vector.broadcast %add3A_19 : f32 to vector<1000x1xf32>
    %add3A_21 = arith.addf %div3A_18, %add3A_20 : vector<1000x1xf32>
    %rsqrt3A = math.rsqrt %add3A_21 : vector<1000x1xf32>
    %mul3A_22 = vector.broadcast %rsqrt3A : vector<1000x1xf32> to vector<1000x128xf32>
    %mul3A_23 = arith.mulf %sub3A_12, %mul3A_22 : vector<1000x128xf32>
    %get3A_24 = arith.constant 0 : index
    %get3A_25 = arith.constant 0 : index
    %get3A_26 = vector.load %arg4[%get3A_24, %get3A_25] : memref<1x128xf32, #tpu.memory_space<vmem>>, vector<1x128xf32>
    %get3A_27 = vector.shape_cast %get3A_26 : vector<1x128xf32> to vector<128xf32>
    %broadcast_in_dim3A_28 = vector.shape_cast %get3A_27 : vector<128xf32> to vector<1x128xf32>
    %mul3A_29 = vector.broadcast %broadcast_in_dim3A_28 : vector<1x128xf32> to vector<1000x128xf32>
    %mul3A_30 = arith.mulf %mul3A_23, %mul3A_29 : vector<1000x128xf32>
    %get3A_31 = arith.constant 0 : index
    %get3A_32 = arith.constant 0 : index
    %get3A_33 = vector.load %arg5[%get3A_31, %get3A_32] : memref<1x128xf32, #tpu.memory_space<vmem>>, vector<1x128xf32>
    %get3A_34 = vector.shape_cast %get3A_33 : vector<1x128xf32> to vector<128xf32>
    %broadcast_in_dim3A_35 = vector.shape_cast %get3A_34 : vector<128xf32> to vector<1x128xf32>
    %add3A_36 = vector.broadcast %broadcast_in_dim3A_35 : vector<1x128xf32> to vector<1000x128xf32>
    %add3A_37 = arith.addf %mul3A_30, %add3A_36 : vector<1000x128xf32>
    %get3A_38 = arith.constant 0 : index
    %get3A_39 = arith.constant 0 : index
    %get3A_40 = vector.load %arg3[%get3A_38, %get3A_39] : memref<1x128xf32, #tpu.memory_space<vmem>>, vector<1x128xf32>
    %get3A_41 = vector.shape_cast %get3A_40 : vector<1x128xf32> to vector<128xf32>
    %broadcast_in_dim3A_42 = vector.shape_cast %get3A_41 : vector<128xf32> to vector<1x128xf32>
    %add3A_43 = vector.broadcast %broadcast_in_dim3A_42 : vector<1x128xf32> to vector<1000x128xf32>
    %add3A_44 = arith.addf %add3A_37, %add3A_43 : vector<1000x128xf32>
    %get3A_45 = arith.constant 0 : index
    %get3A_46 = arith.constant 0 : index
    %get3A_47 = arith.constant 0 : index
    %get3A_48 = vector.load %arg2[%get3A_45, %get3A_46, %get3A_47] : memref<1x1000x128xf32, #tpu.memory_space<vmem>>, vector<1x1000x128xf32>
    %get3A_49 = vector.shape_cast %get3A_48 : vector<1x1000x128xf32> to vector<1000x128xf32>
    %add3A_50 = arith.addf %add3A_44, %get3A_49 : vector<1000x128xf32>
    %swap3A = arith.constant 0 : index
    %swap3A_51 = arith.constant 0 : index
    %swap3A_52 = vector.load %arg6[%swap3A, %swap3A_51] : memref<1000x128xf32, #tpu.memory_space<vmem>>, vector<1000x128xf32>
    tpu.vector_store %arg6[%swap3A, %swap3A_51], %add3A_50 {strides = array<i32>} : memref<1000x128xf32, #tpu.memory_space<vmem>>, vector<1000x128xf32>,
    return
  }
  func.func @transform_0(%arg0: i32) -> (i32, i32, i32) {
    %c0_i32 = arith.constant 0 : i32
    %c0_i32_0 = arith.constant 0 : i32
    %c0_i32_1 = arith.constant 0 : i32
    return %c0_i32, %arg0, %c0_i32_0 : i32, i32, i32
  }
  func.func @transform_1(%arg0: i32) -> (i32, i32, i32) {
    %c20_i32 = arith.constant 20 : i32
    %c0_i32 = arith.constant 0 : i32
    %c0_i32_0 = arith.constant 0 : i32
    return %c20_i32, %arg0, %c0_i32 : i32, i32, i32
  }
  func.func @transform_2(%arg0: i32) -> (i32, i32) {
    %c0_i32 = arith.constant 0 : i32
    %c0_i32_0 = arith.constant 0 : i32
    %c0_i32_1 = arith.constant 0 : i32
    return %c0_i32, %c0_i32_0 : i32, i32
  }
  func.func @transform_3(%arg0: i32) -> (i32, i32) {
    %c0_i32 = arith.constant 0 : i32
    %c0_i32_0 = arith.constant 0 : i32
    %c0_i32_1 = arith.constant 0 : i32
    return %c0_i32, %c0_i32_0 : i32, i32
  }
  func.func @transform_4(%arg0: i32) -> (i32, i32) {
    %c0_i32 = arith.constant 0 : i32
    %c0_i32_0 = arith.constant 0 : i32
    %c0_i32_1 = arith.constant 0 : i32
    return %c0_i32, %c0_i32_0 : i32, i32
  }
  func.func @transform_5(%arg0: i32) -> (i32, i32) {
    %c0_i32 = arith.constant 0 : i32
    %c0_i32_0 = arith.constant 0 : i32
    return %arg0, %c0_i32 : i32, i32
  }
}

</mosaic_0001>

<sc_bundles>
// kernel: kernel.5.cloned.1.call-start
scs
__scs_entry_jumppad:
0x0: {  	(pc) =	sbr.rel $0x88, $3  }
0x1: {  	(tag) =	ssettag $0x0;
	lr =	simm.s32 $0x1  }
0x2: {  	[smem:$0x3F99] =	sst lr;
	_ =	strace $0xD0000000  }
0x3: {  	_ = 	snop  }
0x4: {  	_ = 	snop  }
0x5: {  	_ = 	snop  }
0x6: {  	_ = 	snop  }
0x7: {  	_ = 	snop  }
__scs_overlays_trampoline_lowered:
0x8: {  	[smem:$0x3FA8] =	sst s0  }
0x9: {  	[smem:$0x3FA9] =	sst s1  }
0xa: {  	[smem:$0x3FAA] =	sst s2  }
0xb: {  	[smem:$0x3FAB] =	sst s3  }
0xc: {  	[smem:$0x3FAC] =	sst s4  }
0xd: {  	[smem:$0x3FAD] =	sst s5  }
0xe: {  	[smem:$0x3FAE] =	sst s6  }
0xf: {  	[smem:$0x3FAF] =	sst s7  }
0x10: {  	[smem:$0x3FB0] =	sst s8  }
0x11: {  	[smem:$0x3FB1] =	sst s9;
	s0 =	simm.s32 @!p0 $0x0  }
0x12: {  	s1 =	sld [smem:$0x3F97];
	s0 =	simm.s32 @p0 $0x1  }
0x13: {  	[smem:$0x3FB2] =	sst s0;
	s0 =	simm.s32 @!p1 $0x0  }
0x14: {  	s2 =	sld [smem:$0x3F96];
	s0 =	simm.s32 @p1 $0x1  }
0x15: {  	[smem:$0x3FB3] =	sst s0;
	s0 =	simm.s32 @!p2 $0x0  }
0x16: {  	s3 =	sld [smem:$0x3FDB];
	s0 =	simm.s32 @p2 $0x1  }
0x17: {  	s4 =	simm.s32 $0x1BF5;
	[smem:$0x3FB5] =	sst s0  }
0x18: {  	s0 =	sld [smem:$0x3F98];
	_ =	swait.ge [sflag:s4], $0x0  }
0x19: {  	s7 =	sld [smem:$0x3F99]  }
0x1a: {  	s8 =	sadd.s32 $0xFFFFE003, lr  }
0x1b: {  	s9 =	sadd.s32 $0xFFFFFEF7, lr;
	s5 =	simm.s32 $0xFFFFFFFF;
	p2 =	slt.u32 s8, $0xFFFFF086  }
0x1c: {  	p1 =	slt.u32 s9, $0xF7A;
	s5 =	simm.s32 @!p2 $0x0  }
0x1d: {  	s5 =	simm.s32 @p1 $0x1;
	p0 =	seq.s32 s7, s2  }
0x1e: {  	s7 =	smul.u32 @!p0 $0xF7A, s2;
	p2 =	seq.s32 @!p0 s5, $0x0  }
0x1f: {  	s9 =	smul.u32 $0xF7A, s1;
	s8 =	simm.s32 @!p0 $0x1BF5;
	p2 =	por !p2, p0  }
0x20: {  	[sflag:s8] =	ssyncset.s32 @!p0 $0xFFFFF086;
	s6 =	sadd.s32 @!p0 s3, s7;
	s7 =	simm.s32 @!p0 $0x108  }
0x21: {  	s3 =	sadd.s32 s3, s9;
	s6 =	sadd.s32 @!p0 $0x88, s6;
	s7 =	simm.s32 @p2 $0x1082  }
0x22: {  	[simem:s7], [sflag:s8] =	dma.local @!p0 [hbm:s6], $0xF7A  }
0x23: {  	s9 =	sor.u32 $0xD0000000, s2;
	s6 =	simm.s32 $0x108;
	_ =	swait.ge @!p0 [sflag:s8], $0x0  }
0x24: {  	s3 =	sadd.s32 $0x88, s3;
	s6 =	simm.s32 @!p1 $0x1082;
	[sflag:s4] =	ssyncset.s32 $0xFFFFF086  }
0x25: {  	[simem:s6], [sflag:s4] =	dma.local [hbm:s3], $0xF7A  }
0x26: {  	[smem:$0x3F99] =	sst s1;
	(tag) =	ssettag s2;
	_ =	strace s9  }
0x27: {  	s1 =	sld [smem:$0x3FA9]  }
0x28: {  	s2 =	sld [smem:$0x3FAA]  }
0x29: {  	s4 =	sld [smem:$0x3FAC]  }
0x2a: {  	p0 =	seq.s32 s5, $0x0;
	s5 =	sld [smem:$0x3FAD]  }
0x2b: {  	s6 =	sld [smem:$0x3FAE]  }
0x2c: {  	s7 =	sld [smem:$0x3FAF]  }
0x2d: {  	s3 =	simm.s32 $0x108;
	s8 =	sld [smem:$0x3FB0]  }
0x2e: {  	s3 =	simm.s32 @!p0 $0x1082;
	s9 =	sld [smem:$0x3FB1]  }
0x2f: {  	lr =	sadd.s32 s0, s3;
	s0 =	sld [smem:$0x3FA8]  }
0x30: {  	s3 =	sld [smem:$0x3FAB]  }
0x31: {  	[smem:$0x3FB4] =	sst s10  }
0x32: {  	s10 =	sld [smem:$0x3FB2];
	_ =	sdelay $0x3  }
0x33: {  	p0 =	seq.s32 s10, $0x1;
	s10 =	sld [smem:$0x3FB4];
	_ =	sdelay $0x3  }
0x34: {  	[smem:$0x3FB4] =	sst s10  }
0x35: {  	s10 =	sld [smem:$0x3FB3];
	_ =	sdelay $0x3  }
0x36: {  	p1 =	seq.s32 s10, $0x1;
	s10 =	sld [smem:$0x3FB4];
	_ =	sdelay $0x3  }
0x37: {  	[smem:$0x3FB4] =	sst s10  }
0x38: {  	s10 =	sld [smem:$0x3FB5]  }
0x39: {  	_ = 	snop;
	(pc) =	sbr.ind lr, $3  }
0x3a: {  	_ = 	snop  }
0x3b: {  	_ = 	snop  }
0x3c: {  	p2 =	seq.s32 s10, $0x1;
	s10 =	sld [smem:$0x3FB4]  }
0x3d: {  	_ =	shalt  }
0x3e: {  	_ =	shalt  }
0x3f: {  	_ =	shalt  }
0x40: {  	_ =	shalt  }
0x41: {  	_ =	shalt  }
0x42: {  	_ =	shalt  }
0x43: {  	_ =	shalt  }
0x44: {  	_ =	shalt  }
0x45: {  	_ =	shalt  }
0x46: {  	_ =	shalt  }
0x47: {  	_ =	shalt  }
0x48: {  	_ =	shalt  }
0x49: {  	_ =	shalt  }
0x4a: {  	_ =	shalt  }
0x4b: {  	_ =	shalt  }
0x4c: {  	_ =	shalt  }
0x4d: {  	_ =	shalt  }
0x4e: {  	_ =	shalt  }
0x4f: {  	_ =	shalt  }
0x50: {  	_ =	shalt  }
0x51: {  	_ =	shalt  }
0x52: {  	_ =	shalt  }
0x53: {  	_ =	shalt  }
0x54: {  	_ =	shalt  }
0x55: {  	_ =	shalt  }
0x56: {  	_ =	shalt  }
0x57: {  	_ =	shalt  }
0x58: {  	_ =	shalt  }
0x59: {  	_ =	shalt  }
0x5a: {  	_ =	shalt  }
0x5b: {  	_ =	shalt  }
0x5c: {  	_ =	shalt  }
0x5d: {  	_ =	shalt  }
0x5e: {  	_ =	shalt  }
0x5f: {  	_ =	shalt  }
0x60: {  	_ =	shalt  }
0x61: {  	_ =	shalt  }
0x62: {  	_ =	shalt  }
0x63: {  	_ =	shalt  }
0x64: {  	_ =	shalt  }
0x65: {  	_ =	shalt  }
0x66: {  	_ =	shalt  }
0x67: {  	_ =	shalt  }
0x68: {  	_ =	shalt  }
0x69: {  	_ =	shalt  }
0x6a: {  	_ =	shalt  }
0x6b: {  	_ =	shalt  }
0x6c: {  	_ =	shalt  }
0x6d: {  	_ =	shalt  }
0x6e: {  	_ =	shalt  }
0x6f: {  	_ =	shalt  }
0x70: {  	_ =	shalt  }
0x71: {  	_ =	shalt  }
0x72: {  	_ =	shalt  }
0x73: {  	_ =	shalt  }
0x74: {  	_ =	shalt  }
0x75: {  	_ =	shalt  }
0x76: {  	_ =	shalt  }
0x77: {  	_ =	shalt  }
0x78: {  	_ =	shalt  }
0x79: {  	_ =	shalt  }
0x7a: {  	_ =	shalt  }
0x7b: {  	_ =	shalt  }
0x7c: {  	_ =	shalt  }
0x7d: {  	_ =	shalt  }
0x7e: {  	_ =	shalt  }
0x7f: {  	_ =	shalt  }
0x80: {  	_ =	shalt  }
0x81: {  	_ =	shalt  }
0x82: {  	_ =	shalt  }
0x83: {  	_ =	shalt  }
0x84: {  	_ =	shalt  }
0x85: {  	_ =	shalt  }
0x86: {  	_ =	shalt  }
0x87: {  	_ =	shalt  }
.Lfunc_end0:
.L_simem_size_0:
called_computation_lowered:
.L_overlay_start_0:
0x88: {  	s2 =	sld [smem:$0x3FD9]  }
0x89: {  	s3 =	sld [smem:$0x3FFE];
	_ =	sdelay $0x1  }
0x8a: {  	s1 =	srdreg.scid  }
0x8b: {  	s0 =	sand.u32 $0x1, s1  }
0x8c: {  	s17 =	sshll.u32 s0, $0xA;
	s2 =	sadd.s32 s3, s2  }
0x8d: {  	s2 =	sadd.s32 s2, s17  }
0x8e: {  	[smem:$0x3FC0] =	sst s2  }
0x8f: {  	_ = 	snop  }
0x90: {  	s2 =	sld [smem:$0x3FD0];
	(tm) =	ssettm $0x1  }
0x91: {  	s18 =	sld [smem:$0x3FFB];
	_ =	sdelay $0x3  }
0x92: {  	_ =	strace s18  }
0x93: {  	s3 =	sld [smem:$0x3FFC];
	_ =	sdelay $0x3  }
0x94: {  	_ =	strace s3  }
0x95: {  	s3 =	sld [smem:$0x3FFD];
	_ =	sdelay $0x3  }
0x96: {  	_ =	strace s3  }
0x97: {  	_ =	strace $0x8FFFFFFF  }
0x98: {  	s19 =	sld [smem:$0x3FDB];
	_ =	sdelay $0x1  }
0x99: {  	s4 =	simm.s32 $_scs_section_size  }
0x9a: {  	s5 =	simm.s32 $_size__tile_overlayer_lowered;
	s6 =	simm.s32 $_tile_overlayer_lowered  }
0x9b: {  	s22 =	simm.s32 $0x1BFF;
	s21 =	sshll.u32 s6, $0x1;
	s3 =	sadd.s32 s4, s19  }
0x9c: {  	s7 =	simm.s32 $0x0;
	s20 =	sshll.u32 s5, $0x1;
	s5 =	sadd.s32 s21, s3  }
0x9d: {  	[timem:s7], [sflag:s22] =	dma.local [hbm:s5], s20  }
0x9e: {  	_ =	swait.ge [sflag:s22], s20  }
0x9f: {  	s4 =	ssub.s32 $0x0, s20;
	[sflag:s22] =	ssyncset.done $0x0  }
0xa0: {  	[sflag:s22] =	ssyncadd.s32 s4;
	_ =	sdelay $0x1  }
0xa1: {  	s23 =	simm.s32 $0x1B8B  }
0xa2: {  	_ =	swait.ge [sflag:s23], $0x1  }
0xa3: {  	[sflag:s23] =	ssyncset.done $0x0  }
0xa4: {  	s25 =	simm.s32 $0x1B8E;
	s24 =	sld [smem:$0x3FFE];
	[sflag:s23] =	ssyncadd.s32 $0xFFFFFFFF  }
0xa5: {  	s26 =	simm.s32 $execute0_lowered;
	[smem:$0x3FD2] =	sst s25  }
0xa6: {  	s5 =	sshll.u32 s26, $0x1;
	_ =	strace $0x80000046;
	[dreg:$0x1] =	wrdreg $0xFFFFFFFF  }
0xa7: {  	s28 =	simm.s32 $_size_execute0_lowered;
	s3 =	sadd.s32 s3, s5;
	[dreg:$0x0] =	wrdreg $0x0  }
0xa8: {  	s5 =	sshll.u32 s28, $0x1;
	[dreg:$0x2] =	wrdreg s3  }
0xa9: {  	[dreg:$0x3] =	wrdreg s5  }
0xaa: {  	[dreg:$0x4] =	wrdreg $0xC0  }
0xab: {  	_ =	task [dreg:s7], $0x5FFFF  }
0xac: {  	[dreg:$0x1] =	wrdreg $0xFFFFFFFF  }
0xad: {  	[dreg:$0x0] =	wrdreg $0x60  }
0xae: {  	[dreg:$0x2] =	wrdreg s24  }
0xaf: {  	[dreg:$0x3] =	wrdreg s2  }
0xb0: {  	[dreg:$0x4] =	wrdreg $0xAA000  }
0xb1: {  	[dreg:$0x5] =	wrdreg $0x9  }
0xb2: {  	_ =	task.clear_ibuf [dreg:s7], $0x6FFFF;
	_ =	strace $0x90000046  }
0xb3: {  	s29 =	simm.s32 $0x9;
	_ =	strace $0x80000048  }
0xb4: {  	_ =	swait.ge [sflag:s29], $0x1  }
0xb5: {  	[sflag:s29] =	ssyncadd.s32 $0xFFFFFFFF  }
0xb6: {  	_ =	strace $0x90000048  }
0xb7: {  	_ =	sfence  }
0xb8: {  	s30 =	sld [smem:$0x0];
	_ =	sdelay $0x2  }
0xb9: {  	s31 =	sshll.u32 s1, $0xD;
	s1 =	sshrl.u32 s1, $0x2  }
0xba: {  	s3 =	sand.u32 $0x4000, s31;
	s1 =	sadd.s32 s1, s30  }
0xbb: {  	s0 =	sor.u32 s3, s0;
	s1 =	sshll.u32 s1, $0x11  }
0xbc: {  	s0 =	sor.u32 s1, s0  }
0xbd: {  	s0 =	sadd.s32 $0x8F2B, s0  }
0xbe: {  	[sflag:s0] =	ssyncadd.remote.s32 $0x1  }
0xbf: {  	_ =	sfence.sel $0xFFFF  }
0xc0: {  	[dreg:$0x0] =	wrdreg $0xFFFFFFFF;
	(pc) =	sbr.abs _section_cstart, $3  }
0xc1: {  	[dreg:$0x1] =	wrdreg $0xFFFFFFFF  }
0xc2: {  	_ =	task.clear_ibuf [dreg:s7], $0x2FFFF;
	_ =	strace $0x9FFFFFFF  }
0xc3: {  	(tm) =	ssettm $0x7FFFFFFF  }
tec
execute0_lowered:
.L_overlay_start_1:
0x0: {  	(tag) =	ssettag $0x1  }
0x1: {  	s5 =	rddreg [dreg:$0x0]  }
0x2: {  	s6 =	rddreg [dreg:$0x1]  }
0x3: {  	s2 =	rddreg [dreg:$0x2]  }
0x4: {  	s0 =	rddreg [dreg:$0x3];
	s4 =	srdreg.scid  }
0x5: {  	s1 =	stileid.u32;
	s3 =	simm.s32 $0x0;
	s13 =	simm.s32 $0x3  }
0x6: {  	s14 =	simm.s32 $0x2A00;
	s15 =	simm.s32 $0x80;
	s16 =	simm.s32 $0x2800  }
0x7: {  	s17 =	simm.s32 $0x2900;
	s18 =	simm.s32 $0x6A00;
	s19 =	simm.s32 $0x1  }
0x8: {  	s20 =	simm.s32 $0x2880;
	s21 =	simm.s32 $0x2;
	s22 =	simm.s32 $0x2980  }
0x9: {  	s24 =	simm.s32 $0x0;
	s7 =	sand.u32 $0x1, s4;
	s8 =	smul.u32 $0x2780, s1  }
0xa: {  	[smem:$0x7FF] =	sst s3;
	s11 =	smul.u32 $0x4F000, s1;
	s4 =	sadd.s32 $0x1400, s5  }
0xb: {  	s23 =	sshll.u32 s1, $0x6;
	s9 =	smul.u32 $0x27800, s7;
	_ =	strace $0x80000047  }
0xc: {  	s10 =	sshll.u32 s7, $0x4;
	s7 =	ssub.s32 $0x2, s7;
	s23 =	sor.u32 $0x1C03, s23  }
0xd: {  	s28 =	sor.u32 s1, s10;
	s29 =	sshrl.u32 s11, $0x2;
	s31 =	sshrl.u32 s7, $0x1  }
0xe: {  	s8 =	sadd.s32 s8, s9;
	s9 =	smul.u32 $0x500, s28;
	s12 =	ssub.s32 s7, s31  }
0xf: {  	s30 =	sadd.s32 s8, s5;
	s5 =	sadd.s32 s29, s2;
	s12 =	smax.u32 s12, $0x1  }
0x10: {  	s6 =	sadd.s32 s6, s9;
	s7 =	sadd.s32 $0x4000, s5;
	s8 =	sadd.s32 $0x8000, s5  }
0x11: {  	v0 =	vimm.f32 $0.0e+00;
	s9 =	sadd.s32 $0xC000, s5;
	s10 =	sadd.s32 $0x10000, s5;
	s11 =	sadd.s32 $0x335A00, s30  }
.LBB2_1:
0x12: {  	[tilespmem:s3], [sflag:$0x3] =	stream.linear.gather [hbm4b:s6+s3], $0x2780, $0x38;
	[tilespmem:$0x1E600] =	vst v63  }
0x13: {  	_ =	swait.ge [sflag:s13], $0x2780  }
0x14: {  	[sflag:s13] =	ssyncset.done $0x0  }
0x15: {  	s25 =	simm.s32 $0x0;
	s26 =	simm.s32 $0x200;
	[sflag:s13] =	ssyncadd.s32 $0xFFFFD880  }
.LBB2_2:
0x16: {  	p0 =	sne.s32 s26, $0xFE00;
	[tilespmem:s25+$0x2A70] =	vst v0  }
0x17: {  	[tilespmem:s25+$0x2A00] =	vst v0  }
0x18: {  	[tilespmem:s25+$0x2A10] =	vst v0  }
.Ltmp0:
0x19: {  	[tilespmem:s25+$0x2A20] =	vst v0;
	(pc) =	sbr.rel @p0 .LBB2_2-.Ltmp0, $4  }
0x1a: {  	[tilespmem:s25+$0x2A30] =	vst v0  }
0x1b: {  	[tilespmem:s25+$0x2A40] =	vst v0  }
0x1c: {  	[tilespmem:s25+$0x2A50] =	vst v0  }
0x1d: {  	[tilespmem:s25+$0x2A60] =	vst v0;
	s25 =	sshra.s32 s26, $0x2;
	s26 =	sadd.s32 $0x200, s26  }
0x1e: {  	[tilespmem:s25+$0x2A70] =	vst v0  }
0x1f: {  	[tilespmem:s25+$0x2A00] =	vst v0  }
0x20: {  	[tilespmem:s25+$0x2A10] =	vst v0  }
0x21: {  	[tilespmem:s25+$0x2A20] =	vst v0  }
0x22: {  	[tilespmem:s25+$0x2A30] =	vst v0  }
0x23: {  	[tilespmem:s25+$0x2A40] =	vst v0  }
0x24: {  	[tilespmem:s25+$0x2A50] =	vst v0  }
0x25: {  	[tilespmem:s25+$0x2A60] =	vst v0  }
0x26: {  	[spmem:s5] =	stream.linear.scatter [tilespmem:s14], [sflag:$0x3], $0x4000, $0x38;
	[tilespmem:$0x1E600] =	vst v63  }
0x27: {  	_ =	swait.ge [sflag:s13], $0x4000  }
0x28: {  	[sflag:s13] =	ssyncset.done $0x0  }
0x29: {  	[sflag:s13] =	ssyncadd.s32 $0xFFFFC000  }
0x2a: {  	[spmem:s7] =	stream.linear.scatter [tilespmem:s14], [sflag:$0x3], $0x4000, $0x38;
	[tilespmem:$0x1E600] =	vst v63  }
0x2b: {  	_ =	swait.ge [sflag:s13], $0x4000  }
0x2c: {  	[sflag:s13] =	ssyncset.done $0x0  }
0x2d: {  	[sflag:s13] =	ssyncadd.s32 $0xFFFFC000  }
0x2e: {  	[spmem:s8] =	stream.linear.scatter [tilespmem:s14], [sflag:$0x3], $0x4000, $0x38;
	[tilespmem:$0x1E600] =	vst v63  }
0x2f: {  	_ =	swait.ge [sflag:s13], $0x4000  }
0x30: {  	[sflag:s13] =	ssyncset.done $0x0  }
0x31: {  	[sflag:s13] =	ssyncadd.s32 $0xFFFFC000  }
0x32: {  	[spmem:s9] =	stream.linear.scatter [tilespmem:s14], [sflag:$0x3], $0x4000, $0x38;
	[tilespmem:$0x1E600] =	vst v63  }
0x33: {  	_ =	swait.ge [sflag:s13], $0x4000  }
0x34: {  	[sflag:s13] =	ssyncset.done $0x0  }
0x35: {  	[sflag:s13] =	ssyncadd.s32 $0xFFFFC000  }
0x36: {  	[spmem:s10] =	stream.linear.scatter [tilespmem:s14], [sflag:$0x3], $0x3C00, $0x38;
	[tilespmem:$0x1E600] =	vst v63  }
0x37: {  	_ =	swait.ge [sflag:s13], $0x3C00  }
0x38: {  	[sflag:s13] =	ssyncset.done $0x0  }
0x39: {  	[sflag:s13] =	ssyncadd.s32 $0xFFFFC400  }
0x3a: {  	[bflag:$0x0] =	sbarrier.arrive $0xFFFF  }
0x3b: {  	v1 =	vld [tilespmem:$0x0];
	_ =	sdelay $0x1  }
0x3c: {  	v2 =	vld [tilespmem:$0x10];
	_ =	sdelay $0x1  }
0x3d: {  	v3 =	vld [tilespmem:$0x20]  }
0x3e: {  	v4 =	vshrl.u32 v1, $0xE  }
0x3f: {  	v62 =	vld [tilespmem:$0x30];
	v1 =	vand.u32 $0x3FFF, v1;
	[tilespmem:$0x2800] =	vst v4  }
0x40: {  	[tilespmem:$0x2880] =	vst v1;
	v1 =	vshrl.u32 v2, $0xE  }
0x41: {  	[tilespmem:$0x2810] =	vst v1;
	v1 =	vand.u32 $0x3FFF, v2;
	v2 =	vld [tilespmem:$0x40]  }
0x42: {  	[tilespmem:$0x2890] =	vst v1;
	v1 =	vshrl.u32 v3, $0xE  }
0x43: {  	[tilespmem:$0x2820] =	vst v1;
	v1 =	vand.u32 $0x3FFF, v3;
	v3 =	vld [tilespmem:$0x50]  }
0x44: {  	[tilespmem:$0x28A0] =	vst v1;
	v1 =	vshrl.u32 v62, $0xE  }
0x45: {  	v63 =	vld [tilespmem:$0x60];
	[tilespmem:$0x2830] =	vst v1;
	v1 =	vand.u32 $0x3FFF, v62  }
0x46: {  	[tilespmem:$0x28B0] =	vst v1;
	v1 =	vshrl.u32 v2, $0xE  }
0x47: {  	[tilespmem:$0x2840] =	vst v1;
	v1 =	vand.u32 $0x3FFF, v2;
	v2 =	vld [tilespmem:$0x70]  }
0x48: {  	[tilespmem:$0x28C0] =	vst v1;
	v1 =	vshrl.u32 v3, $0xE  }
0x49: {  	[tilespmem:$0x2850] =	vst v1;
	v1 =	vand.u32 $0x3FFF, v3  }
0x4a: {  	[tilespmem:$0x28D0] =	vst v1;
	v1 =	vshrl.u32 v63, $0xE  }
0x4b: {  	[tilespmem:$0x2860] =	vst v1;
	v1 =	vand.u32 $0x3FFF, v63  }
0x4c: {  	[tilespmem:$0x28E0] =	vst v1;
	v1 =	vshrl.u32 v2, $0xE  }
0x4d: {  	[tilespmem:$0x2870] =	vst v1;
	v1 =	vand.u32 $0x3FFF, v2  }
0x4e: {  	s25 =	simm.s32 $0x0;
	[tilespmem:$0x28F0] =	vst v1  }
0x4f: {  	[tilespmem:s14], [sflag:$0x1] =	stream.indirect.gather [hbm4b:s4+s15], $0x80, s16, s15, $0xb8;
	[tilespmem:$0x1E600] =	vst v63  }
0x50: {  	v1 =	vld [tilespmem:s25+$0x80];
	_ =	sdelay $0x4  }
0x51: {  	v2 =	vshrl.u32 v1, $0xE  }
0x52: {  	v1 =	vand.u32 $0x3FFF, v1;
	[tilespmem:$0x2900] =	vst v2  }
0x53: {  	[tilespmem:$0x2980] =	vst v1  }
0x54: {  	v1 =	vld [tilespmem:s25+$0x90];
	_ =	sdelay $0x4  }
0x55: {  	v2 =	vshrl.u32 v1, $0xE  }
0x56: {  	v1 =	vand.u32 $0x3FFF, v1;
	[tilespmem:$0x2910] =	vst v2  }
0x57: {  	[tilespmem:$0x2990] =	vst v1  }
0x58: {  	v1 =	vld [tilespmem:s25+$0xA0];
	_ =	sdelay $0x4  }
0x59: {  	v2 =	vshrl.u32 v1, $0xE  }
0x5a: {  	v1 =	vand.u32 $0x3FFF, v1;
	[tilespmem:$0x2920] =	vst v2  }
0x5b: {  	[tilespmem:$0x29A0] =	vst v1  }
0x5c: {  	v1 =	vld [tilespmem:s25+$0xB0];
	_ =	sdelay $0x4  }
0x5d: {  	v2 =	vshrl.u32 v1, $0xE  }
0x5e: {  	v1 =	vand.u32 $0x3FFF, v1;
	[tilespmem:$0x2930] =	vst v2  }
0x5f: {  	[tilespmem:$0x29B0] =	vst v1  }
0x60: {  	v1 =	vld [tilespmem:s25+$0xC0];
	_ =	sdelay $0x4  }
0x61: {  	v2 =	vshrl.u32 v1, $0xE  }
0x62: {  	v1 =	vand.u32 $0x3FFF, v1;
	[tilespmem:$0x2940] =	vst v2  }
0x63: {  	[tilespmem:$0x29C0] =	vst v1  }
0x64: {  	v1 =	vld [tilespmem:s25+$0xD0];
	_ =	sdelay $0x4  }
0x65: {  	v2 =	vshrl.u32 v1, $0xE  }
0x66: {  	v1 =	vand.u32 $0x3FFF, v1;
	[tilespmem:$0x2950] =	vst v2  }
0x67: {  	[tilespmem:$0x29D0] =	vst v1  }
0x68: {  	v1 =	vld [tilespmem:s25+$0xE0];
	_ =	sdelay $0x4  }
0x69: {  	v2 =	vshrl.u32 v1, $0xE  }
0x6a: {  	v1 =	vand.u32 $0x3FFF, v1;
	[tilespmem:$0x2960] =	vst v2  }
0x6b: {  	[tilespmem:$0x29E0] =	vst v1  }
0x6c: {  	v1 =	vld [tilespmem:s25+$0xF0];
	_ =	sdelay $0x4  }
0x6d: {  	v2 =	vshrl.u32 v1, $0xE  }
0x6e: {  	v1 =	vand.u32 $0x3FFF, v1;
	[tilespmem:$0x2970] =	vst v2  }
0x6f: {  	[tilespmem:$0x29F0] =	vst v1  }
0x70: {  	[tilespmem:s18], [sflag:$0x2] =	stream.indirect.gather [hbm4b:s4+s15], $0x80, s17, s15, $0xb8;
	[tilespmem:$0x1E600] =	vst v63  }
0x71: {  	_ =	swait.ge [sflag:s19], $0x4000  }
0x72: {  	[sflag:s19] =	ssyncset.done $0x0  }
0x73: {  	[sflag:s19] =	ssyncadd.s32 $0xFFFFC000  }
0x74: {  	[spmem:s2] =	stream.indirect.scatter.add.f32 [tilespmem:s14], [sflag:$0x3], $0x80, s20, s15, $0xb8;
	[tilespmem:$0x1E600] =	vst v63  }
0x75: {  	_ =	swait.ge [sflag:s13], $0x4000  }
0x76: {  	[sflag:s13] =	ssyncset.done $0x0  }
0x77: {  	[sflag:s13] =	ssyncadd.s32 $0xFFFFC000  }
0x78: {  	v1 =	vld [tilespmem:s25+$0x100];
	_ =	sdelay $0x4  }
0x79: {  	v2 =	vshrl.u32 v1, $0xE  }
0x7a: {  	v1 =	vand.u32 $0x3FFF, v1;
	[tilespmem:$0x2800] =	vst v2  }
0x7b: {  	[tilespmem:$0x2880] =	vst v1  }
0x7c: {  	v1 =	vld [tilespmem:s25+$0x110];
	_ =	sdelay $0x4  }
0x7d: {  	v2 =	vshrl.u32 v1, $0xE  }
0x7e: {  	v1 =	vand.u32 $0x3FFF, v1;
	[tilespmem:$0x2810] =	vst v2  }
0x7f: {  	[tilespmem:$0x2890] =	vst v1  }
0x80: {  	v1 =	vld [tilespmem:s25+$0x120];
	_ =	sdelay $0x4  }
0x81: {  	v2 =	vshrl.u32 v1, $0xE  }
0x82: {  	v1 =	vand.u32 $0x3FFF, v1;
	[tilespmem:$0x2820] =	vst v2  }
0x83: {  	[tilespmem:$0x28A0] =	vst v1  }
0x84: {  	v1 =	vld [tilespmem:s25+$0x130];
	_ =	sdelay $0x4  }
0x85: {  	v2 =	vshrl.u32 v1, $0xE  }
0x86: {  	v1 =	vand.u32 $0x3FFF, v1;
	[tilespmem:$0x2830] =	vst v2  }
0x87: {  	[tilespmem:$0x28B0] =	vst v1  }
0x88: {  	v1 =	vld [tilespmem:s25+$0x140];
	_ =	sdelay $0x4  }
0x89: {  	v2 =	vshrl.u32 v1, $0xE  }
0x8a: {  	v1 =	vand.u32 $0x3FFF, v1;
	[tilespmem:$0x2840] =	vst v2  }
0x8b: {  	[tilespmem:$0x28C0] =	vst v1  }
0x8c: {  	v1 =	vld [tilespmem:s25+$0x150];
	_ =	sdelay $0x4  }
0x8d: {  	v2 =	vshrl.u32 v1, $0xE  }
0x8e: {  	v1 =	vand.u32 $0x3FFF, v1;
	[tilespmem:$0x2850] =	vst v2  }
0x8f: {  	[tilespmem:$0x28D0] =	vst v1  }
0x90: {  	v1 =	vld [tilespmem:s25+$0x160];
	_ =	sdelay $0x4  }
0x91: {  	v2 =	vshrl.u32 v1, $0xE  }
0x92: {  	s26 =	simm.s32 $0x400;
	v1 =	vand.u32 $0x3FFF, v1;
	[tilespmem:$0x2860] =	vst v2  }
.LBB2_4:
0x93: {  	p0 =	sne.s32 s26, $0x9800;
	[tilespmem:$0x28E0] =	vst v1;
	s28 =	smov.u32 s26;
	s26 =	sadd.s32 $0x400, s26  }
0x94: {  	v1 =	vld [tilespmem:s25+$0x170];
	_ =	sdelay $0x4  }
0x95: {  	v2 =	vshrl.u32 v1, $0xE;
	v1 =	vand.u32 $0x3FFF, v1  }
0x96: {  	[tilespmem:$0x2870] =	vst v2  }
0x97: {  	[tilespmem:$0x28F0] =	vst v1  }
0x98: {  	[tilespmem:s14], [sflag:$0x1] =	stream.indirect.gather [hbm4b:s4+s15], $0x80, s16, s15, $0xb8;
	[tilespmem:$0x1E600] =	vst v63  }
0x99: {  	_ =	swait.ge [sflag:s21], $0x4000  }
0x9a: {  	[sflag:s21] =	ssyncset.done $0x0  }
0x9b: {  	[sflag:s21] =	ssyncadd.s32 $0xFFFFC000  }
0x9c: {  	[spmem:s2] =	stream.indirect.scatter.add.f32 [tilespmem:s18], [sflag:$0x3], $0x80, s22, s15, $0xb8;
	[tilespmem:$0x1E600] =	vst v63  }
0x9d: {  	_ =	swait.ge [sflag:s13], $0x4000  }
0x9e: {  	[sflag:s13] =	ssyncset.done $0x0  }
0x9f: {  	s25 =	sshra.s32 s28, $0x2;
	[sflag:s13] =	ssyncadd.s32 $0xFFFFC000  }
0xa0: {  	v1 =	vld [tilespmem:s25+$0x80];
	_ =	sdelay $0x4  }
0xa1: {  	v2 =	vshrl.u32 v1, $0xE;
	v1 =	vand.u32 $0x3FFF, v1  }
0xa2: {  	[tilespmem:$0x2900] =	vst v2  }
0xa3: {  	[tilespmem:$0x2980] =	vst v1  }
0xa4: {  	v1 =	vld [tilespmem:s25+$0x90];
	_ =	sdelay $0x4  }
0xa5: {  	v2 =	vshrl.u32 v1, $0xE;
	v1 =	vand.u32 $0x3FFF, v1  }
0xa6: {  	[tilespmem:$0x2910] =	vst v2  }
0xa7: {  	[tilespmem:$0x2990] =	vst v1  }
0xa8: {  	v1 =	vld [tilespmem:s25+$0xA0];
	_ =	sdelay $0x4  }
0xa9: {  	v2 =	vshrl.u32 v1, $0xE;
	v1 =	vand.u32 $0x3FFF, v1  }
0xaa: {  	[tilespmem:$0x2920] =	vst v2  }
0xab: {  	[tilespmem:$0x29A0] =	vst v1  }
0xac: {  	v1 =	vld [tilespmem:s25+$0xB0];
	_ =	sdelay $0x4  }
0xad: {  	v2 =	vshrl.u32 v1, $0xE;
	v1 =	vand.u32 $0x3FFF, v1  }
0xae: {  	[tilespmem:$0x2930] =	vst v2  }
0xaf: {  	[tilespmem:$0x29B0] =	vst v1  }
0xb0: {  	v1 =	vld [tilespmem:s25+$0xC0];
	_ =	sdelay $0x4  }
0xb1: {  	v2 =	vshrl.u32 v1, $0xE;
	v1 =	vand.u32 $0x3FFF, v1  }
0xb2: {  	[tilespmem:$0x2940] =	vst v2  }
0xb3: {  	[tilespmem:$0x29C0] =	vst v1  }
0xb4: {  	v1 =	vld [tilespmem:s25+$0xD0];
	_ =	sdelay $0x4  }
0xb5: {  	v2 =	vshrl.u32 v1, $0xE;
	v1 =	vand.u32 $0x3FFF, v1  }
0xb6: {  	[tilespmem:$0x2950] =	vst v2  }
0xb7: {  	[tilespmem:$0x29D0] =	vst v1  }
0xb8: {  	v1 =	vld [tilespmem:s25+$0xE0];
	_ =	sdelay $0x4  }
0xb9: {  	v2 =	vshrl.u32 v1, $0xE;
	v1 =	vand.u32 $0x3FFF, v1  }
0xba: {  	[tilespmem:$0x2960] =	vst v2  }
0xbb: {  	[tilespmem:$0x29E0] =	vst v1  }
0xbc: {  	v1 =	vld [tilespmem:s25+$0xF0];
	_ =	sdelay $0x4  }
0xbd: {  	v2 =	vshrl.u32 v1, $0xE;
	v1 =	vand.u32 $0x3FFF, v1  }
0xbe: {  	[tilespmem:$0x2970] =	vst v2  }
0xbf: {  	[tilespmem:$0x29F0] =	vst v1  }
0xc0: {  	[tilespmem:s18], [sflag:$0x2] =	stream.indirect.gather [hbm4b:s4+s15], $0x80, s17, s15, $0xb8;
	[tilespmem:$0x1E600] =	vst v63  }
0xc1: {  	_ =	swait.ge [sflag:s19], $0x4000  }
0xc2: {  	[sflag:s19] =	ssyncset.done $0x0  }
0xc3: {  	[sflag:s19] =	ssyncadd.s32 $0xFFFFC000  }
0xc4: {  	[spmem:s2] =	stream.indirect.scatter.add.f32 [tilespmem:s14], [sflag:$0x3], $0x80, s20, s15, $0xb8;
	[tilespmem:$0x1E600] =	vst v63  }
0xc5: {  	_ =	swait.ge [sflag:s13], $0x4000  }
0xc6: {  	[sflag:s13] =	ssyncset.done $0x0  }
0xc7: {  	[sflag:s13] =	ssyncadd.s32 $0xFFFFC000  }
0xc8: {  	v1 =	vld [tilespmem:s25+$0x100];
	_ =	sdelay $0x4  }
0xc9: {  	v2 =	vshrl.u32 v1, $0xE;
	v1 =	vand.u32 $0x3FFF, v1  }
0xca: {  	[tilespmem:$0x2800] =	vst v2  }
0xcb: {  	[tilespmem:$0x2880] =	vst v1  }
0xcc: {  	v1 =	vld [tilespmem:s25+$0x110];
	_ =	sdelay $0x4  }
0xcd: {  	v2 =	vshrl.u32 v1, $0xE;
	v1 =	vand.u32 $0x3FFF, v1  }
0xce: {  	[tilespmem:$0x2810] =	vst v2  }
0xcf: {  	[tilespmem:$0x2890] =	vst v1  }
0xd0: {  	v1 =	vld [tilespmem:s25+$0x120];
	_ =	sdelay $0x4  }
0xd1: {  	v2 =	vshrl.u32 v1, $0xE;
	v1 =	vand.u32 $0x3FFF, v1  }
0xd2: {  	[tilespmem:$0x2820] =	vst v2  }
0xd3: {  	[tilespmem:$0x28A0] =	vst v1  }
0xd4: {  	v1 =	vld [tilespmem:s25+$0x130];
	_ =	sdelay $0x4  }
0xd5: {  	v2 =	vshrl.u32 v1, $0xE;
	v1 =	vand.u32 $0x3FFF, v1  }
0xd6: {  	[tilespmem:$0x2830] =	vst v2  }
0xd7: {  	[tilespmem:$0x28B0] =	vst v1  }
0xd8: {  	v1 =	vld [tilespmem:s25+$0x140];
	_ =	sdelay $0x4  }
0xd9: {  	v2 =	vshrl.u32 v1, $0xE;
	v1 =	vand.u32 $0x3FFF, v1  }
0xda: {  	[tilespmem:$0x2840] =	vst v2  }
0xdb: {  	[tilespmem:$0x28C0] =	vst v1  }
0xdc: {  	v1 =	vld [tilespmem:s25+$0x150];
	_ =	sdelay $0x4  }
0xdd: {  	v2 =	vshrl.u32 v1, $0xE;
	v1 =	vand.u32 $0x3FFF, v1  }
0xde: {  	[tilespmem:$0x2850] =	vst v2  }
0xdf: {  	[tilespmem:$0x28D0] =	vst v1  }
0xe0: {  	v1 =	vld [tilespmem:s25+$0x160];
	_ =	sdelay $0x1  }
.Ltmp1:
0xe1: {  	(pc) =	sbr.rel @p0 .LBB2_4-.Ltmp1, $3  }
0xe2: {  	_ =	sdelay $0x1  }
0xe3: {  	v2 =	vshrl.u32 v1, $0xE;
	v1 =	vand.u32 $0x3FFF, v1  }
0xe4: {  	[tilespmem:$0x2860] =	vst v2  }
0xe5: {  	[tilespmem:$0x28E0] =	vst v1  }
0xe6: {  	v1 =	vld [tilespmem:s25+$0x170];
	_ =	sdelay $0x4  }
0xe7: {  	v2 =	vshrl.u32 v1, $0xE  }
0xe8: {  	v1 =	vand.u32 $0x3FFF, v1;
	[tilespmem:$0x2870] =	vst v2  }
0xe9: {  	[tilespmem:$0x28F0] =	vst v1  }
0xea: {  	[tilespmem:s14], [sflag:$0x1] =	stream.indirect.gather [hbm4b:s4+s15], $0x80, s16, s15, $0xb8;
	[tilespmem:$0x1E600] =	vst v63  }
0xeb: {  	_ =	swait.ge [sflag:s21], $0x4000  }
0xec: {  	[sflag:s21] =	ssyncset.done $0x0  }
0xed: {  	[sflag:s21] =	ssyncadd.s32 $0xFFFFC000  }
0xee: {  	[spmem:s2] =	stream.indirect.scatter.add.f32 [tilespmem:s18], [sflag:$0x3], $0x80, s22, s15, $0xb8;
	[tilespmem:$0x1E600] =	vst v63  }
0xef: {  	_ =	swait.ge [sflag:s13], $0x4000  }
0xf0: {  	[sflag:s13] =	ssyncset.done $0x0  }
0xf1: {  	[sflag:s13] =	ssyncadd.s32 $0xFFFFC000  }
0xf2: {  	_ =	swait.ge [sflag:s19], $0x4000  }
0xf3: {  	[sflag:s19] =	ssyncset.done $0x0  }
0xf4: {  	[sflag:s19] =	ssyncadd.s32 $0xFFFFC000  }
0xf5: {  	[spmem:s2] =	stream.indirect.scatter.add.f32 [tilespmem:s14], [sflag:$0x3], $0x80, s20, s15, $0xb8;
	[tilespmem:$0x1E600] =	vst v63  }
0xf6: {  	_ =	swait.ge [sflag:s13], $0x4000  }
0xf7: {  	s24 =	sadd.s32 $0x1, s24;
	[sflag:s13] =	ssyncset.done $0x0  }
0xf8: {  	p0 =	sne.s32 s24, s12;
	[sflag:s13] =	ssyncadd.s32 $0xFFFFC000  }
.Ltmp2:
0xf9: {  	s31 =	sshrl.u32 s5, $0x3;
	[bflag:$0x0] =	sbarrier.arrive $0xFFFF;
	(pc) =	sbr.rel @p0 .LBB2_1-.Ltmp2, $4  }
0xfa: {  	[hbm:s11], [sflag:s23] =	dma.local [spmem:s31], $0x2780  }
0xfb: {  	_ =	swait.ge [sflag:s13], $0x2780  }
0xfc: {  	[sflag:s13] =	ssyncset.done $0x0  }
0xfd: {  	[sflag:s13] =	ssyncadd.s32 $0xFFFFD880  }
0xfe: {  	_ =	sfence.sel $0x180000  }
0xff: {  	[bflag:$0x0] =	sbarrier.arrive $0xFFFF  }
0x100: {  	p0 =	sne.s32 s1, $0x0;
	_ =	strace $0x90000047  }
0x101: {  	s0 =	sadd.s32 @!p0 $0x100000, s0;
	[bflag:$0x2] =	sbarrier.arrive $0xFFFF  }
0x102: {  	[sflag:s0] =	ssyncadd.tile.s32 @!p0 $0x1;
	_ =	shalt  }
.Lfunc_end2:
_tile_overlayer_lowered:
.L_overlay_start_2:
0x103: {  	(tag) =	ssettag $0x2  }
0x104: {  	s0 =	rddreg [dreg:$0x0];
	s2 =	stileid.u32  }
0x105: {  	s1 =	rddreg [dreg:$0x1];
	p0 =	sne.s32 s2, $0x0  }
0x106: {  	s3 =	rddreg [dreg:$0x2];
	[bflag:$0x3] =	sbarrier.arrive $0xFFFF;
	s2 =	simm.s32 @!p0 $0x1C03  }
0x107: {  	[timem:s3], [sflag:s2] =	dma.local @!p0 [hbm:s0], s1  }
0x108: {  	s0 =	simm.s32 @!p0 $0x3  }
0x109: {  	_ =	swait.ge @!p0 [sflag:s0], s1  }
0x10a: {  	s1 =	ssub.s32 @!p0 $0x0, s1;
	[sflag:s0] =	ssyncset.done @!p0 $0x0  }
0x10b: {  	[sflag:s0] =	ssyncadd.s32 @!p0 s1  }
0x10c: {  	[bflag:$0x3] =	sbarrier.arrive $0xFFFF  }
0x10d: {  	_ =	shalt  }

</sc_bundles>
